<compile_context>
chip_gen: v7x
topology: tpu7x:2x2x1
jax: 0.10.2.dev20260603
libtpu: 0.0.44.dev20260713+nightly
codegen_flags: <defaults>
</compile_context>

<pallas_src>
import functools

import jax
import jax.numpy as jnp
from jax import lax
from jax.experimental import pallas as pl
from jax.experimental.pallas import tpu as pltpu
from jax.experimental.pallas import tpu_sc as plsc

D = 1024
B = 4096
NLEAF = 4
CH = 512
TB = 512
NBLK = B // TB
NSLOT = NBLK + NLEAF - 1
NW = 32
RPW = B // NW
CK = 32


def _route_kernel(x_ref, wg_ref, bg_ref, tgt_ref, counts_ref, carry_s):
    i = pl.program_id(0)

    @pl.when(i == 0)
    def _():
        carry_s[:] = jnp.zeros((1, NLEAF), dtype=jnp.float32)

    lane4 = lax.broadcasted_iota(jnp.int32, (CH, NLEAF), 1)
    r_i = lax.broadcasted_iota(jnp.int32, (CH, CH), 0)
    c_i = lax.broadcasted_iota(jnp.int32, (CH, CH), 1)
    l_strict = (c_i < r_i).astype(jnp.float32)

    xt = x_ref[:]
    logits = jnp.dot(xt, wg_ref[:], preferred_element_type=jnp.float32)
    logits = logits + bg_ref[:]
    m = jnp.max(logits, axis=1, keepdims=True)
    idxv = jnp.min(jnp.where(logits >= m, lane4, NLEAF), axis=1,
                   keepdims=True)
    onehot = (lane4 == idxv).astype(jnp.float32)
    ranks = jnp.dot(l_strict, onehot,
                    preferred_element_type=jnp.float32)
    rank_sel = jnp.sum(ranks * onehot, axis=1, keepdims=True)
    carry = carry_s[:]
    grank = rank_sel + jnp.sum(onehot * carry, axis=1, keepdims=True)

    tgt_ref[:] = idxv * B + grank.astype(jnp.int32)
    new_carry = carry + jnp.sum(onehot, axis=0, keepdims=True)
    carry_s[:] = new_carry
    counts_ref[:] = new_carry.astype(jnp.int32)


def _route(x, W_gate, b_gate):
    return pl.pallas_call(
        _route_kernel,
        grid=(B // CH,),
        in_specs=[
            pl.BlockSpec((CH, D), lambda i: (i, 0)),
            pl.BlockSpec((D, NLEAF), lambda i: (0, 0)),
            pl.BlockSpec((1, NLEAF), lambda i: (0, 0)),
        ],
        out_specs=[
            pl.BlockSpec((CH, 1), lambda i: (i, 0)),
            pl.BlockSpec((1, NLEAF), lambda i: (0, 0)),
        ],
        out_shape=[
            jax.ShapeDtypeStruct((B, 1), jnp.int32),
            jax.ShapeDtypeStruct((1, NLEAF), jnp.int32),
        ],
        scratch_shapes=[pltpu.VMEM((1, NLEAF), jnp.float32)],
    )(x, W_gate, b_gate.reshape(1, NLEAF))


@functools.lru_cache(maxsize=None)
def _sc_kernels():
    mesh = plsc.VectorSubcoreMesh(core_axis_name="c", subcore_axis_name="s")
    nj = RPW // CK
    sc_kernel = functools.partial(
        pl.kernel, mesh=mesh,
        scratch_types=[
            pltpu.VMEM((nj, CK), jnp.int32),
            pltpu.VMEM((CK, D), jnp.float32),
            pltpu.SemaphoreType.DMA,
            pltpu.SemaphoreType.DMA,
        ],
    )

    @functools.partial(
        sc_kernel,
        out_type=jax.ShapeDtypeStruct((NLEAF * B, D), jnp.float32))
    def sc_dispatch(x_hbm, tgt_hbm, out_hbm, tgt_v, rows_v, sem, sem2):
        wid = lax.axis_index("s") * 2 + lax.axis_index("c")
        pltpu.async_copy(tgt_hbm.at[pl.ds(wid * nj, nj)], tgt_v, sem2).wait()
        for j in range(nj):
            start = wid * RPW + j * CK
            pltpu.sync_copy(x_hbm.at[pl.ds(start, CK)], rows_v)
            pltpu.async_copy(rows_v, out_hbm.at[tgt_v.at[j]], sem).wait()

    @functools.partial(
        sc_kernel,
        out_type=jax.ShapeDtypeStruct((B, D), jnp.float32))
    def sc_combine(y_hbm, tgt_hbm, out_hbm, tgt_v, rows_v, sem, sem2):
        wid = lax.axis_index("s") * 2 + lax.axis_index("c")
        pltpu.async_copy(tgt_hbm.at[pl.ds(wid * nj, nj)], tgt_v, sem2).wait()
        for j in range(nj):
            start = wid * RPW + j * CK
            pltpu.async_copy(y_hbm.at[tgt_v.at[j]], rows_v, sem).wait()
            pltpu.sync_copy(rows_v, out_hbm.at[pl.ds(start, CK)])

    return sc_dispatch, sc_combine


def _slot(k, cnt):
    nt = [(cnt[e] + TB - 1) // TB for e in range(NLEAF)]
    cum1 = nt[0]
    cum2 = cum1 + nt[1]
    cum3 = cum2 + nt[2]
    total = cum3 + nt[3]
    kc = jnp.minimum(k, total - 1)
    e = ((kc >= cum1).astype(jnp.int32) + (kc >= cum2).astype(jnp.int32)
         + (kc >= cum3).astype(jnp.int32))
    excl = (jnp.where(e == 1, cum1, 0) + jnp.where(e == 2, cum2, 0)
            + jnp.where(e == 3, cum3, 0))
    return e, kc - excl


def _mlp_kernel(cnt_sm, xs_ref, wl_ref, bl_ref, wm_ref, bm_ref, wr_ref,
                br_ref, out_ref):
    h1 = jnp.dot(xs_ref[:], wl_ref[0], preferred_element_type=jnp.float32)
    h1 = jnp.maximum(h1 + bl_ref[0], 0.0)
    h2 = jnp.dot(h1, wm_ref[0], preferred_element_type=jnp.float32)
    h2 = jnp.maximum(h2 + bm_ref[0], 0.0)
    h3 = jnp.dot(h2, wr_ref[:], preferred_element_type=jnp.float32)
    out_ref[:] = jnp.maximum(h3 + br_ref[:], 0.0)


def _sorted_mlp(counts, xs, W_leaf, b_leaf, W_mid, b_mid, W_root, b_root):
    def xmap(k, cnt):
        e, j = _slot(k, cnt)
        return (e * NBLK + j, 0)

    grid_spec = pltpu.PrefetchScalarGridSpec(
        num_scalar_prefetch=1,
        grid=(NSLOT,),
        in_specs=[
            pl.BlockSpec((TB, D), xmap),
            pl.BlockSpec((1, D, D), lambda k, cnt: (_slot(k, cnt)[0], 0, 0)),
            pl.BlockSpec((1, 1, D), lambda k, cnt: (_slot(k, cnt)[0], 0, 0)),
            pl.BlockSpec((1, D, D),
                         lambda k, cnt: (_slot(k, cnt)[0] // 2, 0, 0)),
            pl.BlockSpec((1, 1, D),
                         lambda k, cnt: (_slot(k, cnt)[0] // 2, 0, 0)),
            pl.BlockSpec((D, D), lambda k, cnt: (0, 0)),
            pl.BlockSpec((1, D), lambda k, cnt: (0, 0)),
        ],
        out_specs=pl.BlockSpec((TB, D), xmap),
    )
    return pl.pallas_call(
        _mlp_kernel,
        grid_spec=grid_spec,
        out_shape=jax.ShapeDtypeStruct((NLEAF * B, D), jnp.float32),
    )(counts, xs, W_leaf, b_leaf.reshape(NLEAF, 1, D), W_mid,
      b_mid.reshape(2, 1, D), W_root, b_root.reshape(1, D))


def kernel(x, W_leaf, b_leaf, W_mid, b_mid, W_root, b_root, W_gate, b_gate):
    sc_dispatch, sc_combine = _sc_kernels()
    tgt2d, counts2d = _route(x, W_gate, b_gate)
    tgt = tgt2d.reshape(B // CK, CK)
    xs = sc_dispatch(x, tgt)
    ys = _sorted_mlp(counts2d.reshape(NLEAF), xs, W_leaf, b_leaf, W_mid,
                     b_mid, W_root, b_root)
    return sc_combine(ys, tgt)

# --- scband reference (transcript-rebuilt; emitter-appended) ---
"""Pipeline reference for scband-tree-model-17523466568298 (READ-ONLY COPY).

The authoritative reference and input builder live on the scoring server;
editing this copy changes nothing except your own understanding.
"""

import jax, jax.numpy as jnp
import numpy as np

D = 1024
B = 4096
NLEAF = 4


def setup_inputs(seed: int = 0) -> dict:
    key = jax.random.key(seed)
    ks = jax.random.split(key, 8)
    s = 1.0 / np.sqrt(D)
    return {
        "x": jax.random.normal(ks[0], (B, D), dtype=jnp.float32),
        "W_leaf": jax.random.normal(ks[1], (NLEAF, D, D), dtype=jnp.float32) * s,
        "b_leaf": jnp.zeros((NLEAF, D), dtype=jnp.float32),
        "W_mid": jax.random.normal(ks[2], (2, D, D), dtype=jnp.float32) * s,
        "b_mid": jnp.zeros((2, D), dtype=jnp.float32),
        "W_root": jax.random.normal(ks[3], (D, D), dtype=jnp.float32) * s,
        "b_root": jnp.zeros((D,), dtype=jnp.float32),
        "W_gate": jax.random.normal(ks[4], (D, NLEAF), dtype=jnp.float32) * s,
        "b_gate": jnp.zeros((NLEAF,), dtype=jnp.float32),
    }


def reference(x, W_leaf, b_leaf, W_mid, b_mid, W_root, b_root, W_gate, b_gate):
    # gate: hard argmax routing (torch.max(...).indices)
    gate_logits = x @ W_gate + b_gate                      # [B, NLEAF]
    idx = jnp.argmax(gate_logits, axis=1)                  # [B] leaf index per token

    # leaf level: each leaf is Linear(D,D)+ReLU; compute all leaves for all tokens
    h1 = jax.nn.relu(jnp.einsum('bd,ldo->lbo', x, W_leaf) + b_leaf[:, None, :])   # [NLEAF,B,D]

    # mid level: leaves (0,1) share parent 0, leaves (2,3) share parent 1
    parent_of_leaf = jnp.array([0, 0, 1, 1], dtype=jnp.int32)
    W_mid_pl = W_mid[parent_of_leaf]                       # [NLEAF, D, D]
    b_mid_pl = b_mid[parent_of_leaf]                       # [NLEAF, D]
    h2 = jax.nn.relu(jnp.einsum('lbd,ldo->lbo', h1, W_mid_pl) + b_mid_pl[:, None, :])

    # root level: shared Linear(D,D)+ReLU
    h3 = jax.nn.relu(jnp.einsum('lbd,do->lbo', h2, W_root) + b_root)              # [NLEAF,B,D]

    # per-token selection of its routed leaf path (gather)
    out = h3[idx, jnp.arange(B)]                           # [B, D]
    return out

if __name__ == "__main__":
    import jax
    _d = setup_inputs()
    print(jax.jit(kernel)(*tuple(_d.values())))

</pallas_src>

<mosaic_0001>
#map = affine_map<(d0, d1) -> (0, 0)>
module attributes {stable_mosaic.version = 14 : i64} {
  func.func @sc_dispatch(%arg0: i32, %arg1: i32, %arg2: memref<4096x1024xf32, #tpu.memory_space<hbm>>, %arg3: memref<128x32xi32, #tpu.memory_space<hbm>>, %arg4: memref<16384x1024xf32, #tpu.memory_space<hbm>>, %arg5: memref<4x32xi32, #tpu.memory_space<vmem>>, %arg6: memref<32x1024xf32, #tpu.memory_space<vmem>>, %arg7: memref<!tpu.dma_semaphore, #tpu.memory_space<semaphore_mem>>, %arg8: memref<!tpu.dma_semaphore, #tpu.memory_space<semaphore_mem>>) attributes {dimension_semantics = [#tpu.dimension_semantics<core_parallel>, #tpu.dimension_semantics<subcore_parallel>], iteration_bounds = array<i64: 2, 16>, scalar_prefetch = 0 : i64, scratch_operands = 4 : i64, tpu.core_type = #tpu.core_type<sc_vector_subcore>, window_params = [{transform_indices = #map}, {transform_indices = #map}, {transform_indices = #map}]} {
    %mul3A = arith.constant 2 : i32
    %mul3A_0 = arith.muli %arg1, %mul3A : i32
    %add3A = arith.addi %mul3A_0, %arg0 : i32
    %mul3A_1 = arith.constant 4 : i32
    %mul3A_2 = arith.muli %add3A, %mul3A_1 : i32
    %dma_start3A = arith.constant 0 : i32
    %dma_start3A_3 = tpu.memref_slice %arg3[%mul3A_2, %dma_start3A] : memref<128x32xi32, #tpu.memory_space<hbm>> -> memref<4x32xi32, #tpu.memory_space<hbm>>
    %dma_start3A_4 = arith.constant 0 : i32
    %dma_start3A_5 = tpu.memref_slice %arg3[%mul3A_2, %dma_start3A_4] : memref<128x32xi32, #tpu.memory_space<hbm>> -> memref<4x32xi32, #tpu.memory_space<hbm>>
    tpu.enqueue_dma source(%dma_start3A_5 : memref<4x32xi32, #tpu.memory_space<hbm>>) target(%arg5 : memref<4x32xi32, #tpu.memory_space<vmem>>) target_semaphore(%arg8 : memref<!tpu.dma_semaphore, #tpu.memory_space<semaphore_mem>>)
    %dma_wait3A = arith.constant 0 : i32
    %dma_wait3A_6 = tpu.memref_slice %arg3[%mul3A_2, %dma_wait3A] : memref<128x32xi32, #tpu.memory_space<hbm>> -> memref<4x32xi32, #tpu.memory_space<hbm>>
    %dma_wait3A_7 = arith.constant 0 : i32
    %dma_wait3A_8 = tpu.memref_slice %arg3[%mul3A_2, %dma_wait3A_7] : memref<128x32xi32, #tpu.memory_space<hbm>> -> memref<4x32xi32, #tpu.memory_space<hbm>>
    tpu.wait_dma2 semaphore(%arg8 : memref<!tpu.dma_semaphore, #tpu.memory_space<semaphore_mem>>) src(%dma_wait3A_8 : memref<4x32xi32, #tpu.memory_space<hbm>>) dst(%arg5 : memref<4x32xi32, #tpu.memory_space<vmem>>)
    %mul3A_9 = arith.constant 128 : i32
    %mul3A_10 = arith.muli %add3A, %mul3A_9 : i32
    %add3A_11 = arith.constant 0 : i32
    %add3A_12 = arith.addi %mul3A_10, %add3A_11 : i32
    "tpu.region"() ({
      %run_scoped3A = tpu.sem_alloc : memref<!tpu.dma_semaphore, #tpu.memory_space<semaphore_mem>>
      %dma_start3A_81 = arith.constant 0 : i32
      %dma_start3A_82 = tpu.memref_slice %arg2[%add3A_12, %dma_start3A_81] : memref<4096x1024xf32, #tpu.memory_space<hbm>> -> memref<32x1024xf32, #tpu.memory_space<hbm>>
      %dma_start3A_83 = arith.constant 0 : i32
      %dma_start3A_84 = tpu.memref_slice %arg2[%add3A_12, %dma_start3A_83] : memref<4096x1024xf32, #tpu.memory_space<hbm>> -> memref<32x1024xf32, #tpu.memory_space<hbm>>
      tpu.enqueue_dma source(%dma_start3A_84 : memref<32x1024xf32, #tpu.memory_space<hbm>>) target(%arg6 : memref<32x1024xf32, #tpu.memory_space<vmem>>) target_semaphore(%run_scoped3A : memref<!tpu.dma_semaphore, #tpu.memory_space<semaphore_mem>>)
      %dma_wait3A_85 = arith.constant 0 : i32
      %dma_wait3A_86 = tpu.memref_slice %arg2[%add3A_12, %dma_wait3A_85] : memref<4096x1024xf32, #tpu.memory_space<hbm>> -> memref<32x1024xf32, #tpu.memory_space<hbm>>
      %dma_wait3A_87 = arith.constant 0 : i32
      %dma_wait3A_88 = tpu.memref_slice %arg2[%add3A_12, %dma_wait3A_87] : memref<4096x1024xf32, #tpu.memory_space<hbm>> -> memref<32x1024xf32, #tpu.memory_space<hbm>>
      tpu.wait_dma2 semaphore(%run_scoped3A : memref<!tpu.dma_semaphore, #tpu.memory_space<semaphore_mem>>) src(%dma_wait3A_88 : memref<32x1024xf32, #tpu.memory_space<hbm>>) dst(%arg6 : memref<32x1024xf32, #tpu.memory_space<vmem>>)
      tpu.yield
    }) : () -> ()
    %dma_start3A_13 = arith.constant 0 : i32
    %dma_start3A_14 = arith.constant 0 : i32
    %dma_start3A_15 = tpu.memref_slice %arg5[%dma_start3A_13, %dma_start3A_14] : memref<4x32xi32, #tpu.memory_space<vmem>> -> memref<1x32xi32, #tpu.memory_space<vmem>>
    %dma_start3A_16 = tpu.memref_squeeze %dma_start3A_15 : memref<1x32xi32, #tpu.memory_space<vmem>> -> memref<32xi32, #tpu.memory_space<vmem>>
    %dma_start3A_17 = arith.constant 0 : i32
    %dma_start3A_18 = arith.constant 0 : i32
    %dma_start3A_19 = tpu.memref_slice %arg4[%dma_start3A_17, %dma_start3A_18] : memref<16384x1024xf32, #tpu.memory_space<hbm>> -> memref<16384x1024xf32, #tpu.memory_space<hbm>>
    tpu.enqueue_indirect_dma source(%arg6 : memref<32x1024xf32, #tpu.memory_space<vmem>>) target(%dma_start3A_19 : memref<16384x1024xf32, #tpu.memory_space<hbm>>) offsets(%dma_start3A_16 : memref<32xi32, #tpu.memory_space<vmem>>) semaphore(%arg7 : memref<!tpu.dma_semaphore, #tpu.memory_space<semaphore_mem>>)
    %dma_wait3A_20 = arith.constant 0 : i32
    %dma_wait3A_21 = arith.constant 0 : i32
    %dma_wait3A_22 = tpu.memref_slice %arg5[%dma_wait3A_20, %dma_wait3A_21] : memref<4x32xi32, #tpu.memory_space<vmem>> -> memref<1x32xi32, #tpu.memory_space<vmem>>
    %dma_wait3A_23 = tpu.memref_squeeze %dma_wait3A_22 : memref<1x32xi32, #tpu.memory_space<vmem>> -> memref<32xi32, #tpu.memory_space<vmem>>
    %dma_wait3A_24 = arith.constant 0 : i32
    %dma_wait3A_25 = arith.constant 0 : i32
    %dma_wait3A_26 = tpu.memref_slice %arg4[%dma_wait3A_24, %dma_wait3A_25] : memref<16384x1024xf32, #tpu.memory_space<hbm>> -> memref<16384x1024xf32, #tpu.memory_space<hbm>>
    tpu.wait_indirect_dma semaphore(%arg7 : memref<!tpu.dma_semaphore, #tpu.memory_space<semaphore_mem>>) src(%arg6 : memref<32x1024xf32, #tpu.memory_space<vmem>>) dst(%dma_wait3A_26 : memref<16384x1024xf32, #tpu.memory_space<hbm>>)
    %mul3A_27 = arith.constant 128 : i32
    %mul3A_28 = arith.muli %add3A, %mul3A_27 : i32
    %add3A_29 = arith.constant 32 : i32
    %add3A_30 = arith.addi %mul3A_28, %add3A_29 : i32
    "tpu.region"() ({
      %run_scoped3A = tpu.sem_alloc : memref<!tpu.dma_semaphore, #tpu.memory_space<semaphore_mem>>
      %dma_start3A_81 = arith.constant 0 : i32
      %dma_start3A_82 = tpu.memref_slice %arg2[%add3A_30, %dma_start3A_81] : memref<4096x1024xf32, #tpu.memory_space<hbm>> -> memref<32x1024xf32, #tpu.memory_space<hbm>>
      %dma_start3A_83 = arith.constant 0 : i32
      %dma_start3A_84 = tpu.memref_slice %arg2[%add3A_30, %dma_start3A_83] : memref<4096x1024xf32, #tpu.memory_space<hbm>> -> memref<32x1024xf32, #tpu.memory_space<hbm>>
      tpu.enqueue_dma source(%dma_start3A_84 : memref<32x1024xf32, #tpu.memory_space<hbm>>) target(%arg6 : memref<32x1024xf32, #tpu.memory_space<vmem>>) target_semaphore(%run_scoped3A : memref<!tpu.dma_semaphore, #tpu.memory_space<semaphore_mem>>)
      %dma_wait3A_85 = arith.constant 0 : i32
      %dma_wait3A_86 = tpu.memref_slice %arg2[%add3A_30, %dma_wait3A_85] : memref<4096x1024xf32, #tpu.memory_space<hbm>> -> memref<32x1024xf32, #tpu.memory_space<hbm>>
      %dma_wait3A_87 = arith.constant 0 : i32
      %dma_wait3A_88 = tpu.memref_slice %arg2[%add3A_30, %dma_wait3A_87] : memref<4096x1024xf32, #tpu.memory_space<hbm>> -> memref<32x1024xf32, #tpu.memory_space<hbm>>
      tpu.wait_dma2 semaphore(%run_scoped3A : memref<!tpu.dma_semaphore, #tpu.memory_space<semaphore_mem>>) src(%dma_wait3A_88 : memref<32x1024xf32, #tpu.memory_space<hbm>>) dst(%arg6 : memref<32x1024xf32, #tpu.memory_space<vmem>>)
      tpu.yield
    }) : () -> ()
    %dma_start3A_31 = arith.constant 1 : i32
    %dma_start3A_32 = arith.constant 0 : i32
    %dma_start3A_33 = tpu.memref_slice %arg5[%dma_start3A_31, %dma_start3A_32] : memref<4x32xi32, #tpu.memory_space<vmem>> -> memref<1x32xi32, #tpu.memory_space<vmem>>
    %dma_start3A_34 = tpu.memref_squeeze %dma_start3A_33 : memref<1x32xi32, #tpu.memory_space<vmem>> -> memref<32xi32, #tpu.memory_space<vmem>>
    %dma_start3A_35 = arith.constant 0 : i32
    %dma_start3A_36 = arith.constant 0 : i32
    %dma_start3A_37 = tpu.memref_slice %arg4[%dma_start3A_35, %dma_start3A_36] : memref<16384x1024xf32, #tpu.memory_space<hbm>> -> memref<16384x1024xf32, #tpu.memory_space<hbm>>
    tpu.enqueue_indirect_dma source(%arg6 : memref<32x1024xf32, #tpu.memory_space<vmem>>) target(%dma_start3A_37 : memref<16384x1024xf32, #tpu.memory_space<hbm>>) offsets(%dma_start3A_34 : memref<32xi32, #tpu.memory_space<vmem>>) semaphore(%arg7 : memref<!tpu.dma_semaphore, #tpu.memory_space<semaphore_mem>>)
    %dma_wait3A_38 = arith.constant 1 : i32
    %dma_wait3A_39 = arith.constant 0 : i32
    %dma_wait3A_40 = tpu.memref_slice %arg5[%dma_wait3A_38, %dma_wait3A_39] : memref<4x32xi32, #tpu.memory_space<vmem>> -> memref<1x32xi32, #tpu.memory_space<vmem>>
    %dma_wait3A_41 = tpu.memref_squeeze %dma_wait3A_40 : memref<1x32xi32, #tpu.memory_space<vmem>> -> memref<32xi32, #tpu.memory_space<vmem>>
    %dma_wait3A_42 = arith.constant 0 : i32
    %dma_wait3A_43 = arith.constant 0 : i32
    %dma_wait3A_44 = tpu.memref_slice %arg4[%dma_wait3A_42, %dma_wait3A_43] : memref<16384x1024xf32, #tpu.memory_space<hbm>> -> memref<16384x1024xf32, #tpu.memory_space<hbm>>
    tpu.wait_indirect_dma semaphore(%arg7 : memref<!tpu.dma_semaphore, #tpu.memory_space<semaphore_mem>>) src(%arg6 : memref<32x1024xf32, #tpu.memory_space<vmem>>) dst(%dma_wait3A_44 : memref<16384x1024xf32, #tpu.memory_space<hbm>>)
    %mul3A_45 = arith.constant 128 : i32
    %mul3A_46 = arith.muli %add3A, %mul3A_45 : i32
    %add3A_47 = arith.constant 64 : i32
    %add3A_48 = arith.addi %mul3A_46, %add3A_47 : i32
    "tpu.region"() ({
      %run_scoped3A = tpu.sem_alloc : memref<!tpu.dma_semaphore, #tpu.memory_space<semaphore_mem>>
      %dma_start3A_81 = arith.constant 0 : i32
      %dma_start3A_82 = tpu.memref_slice %arg2[%add3A_48, %dma_start3A_81] : memref<4096x1024xf32, #tpu.memory_space<hbm>> -> memref<32x1024xf32, #tpu.memory_space<hbm>>
      %dma_start3A_83 = arith.constant 0 : i32
      %dma_start3A_84 = tpu.memref_slice %arg2[%add3A_48, %dma_start3A_83] : memref<4096x1024xf32, #tpu.memory_space<hbm>> -> memref<32x1024xf32, #tpu.memory_space<hbm>>
      tpu.enqueue_dma source(%dma_start3A_84 : memref<32x1024xf32, #tpu.memory_space<hbm>>) target(%arg6 : memref<32x1024xf32, #tpu.memory_space<vmem>>) target_semaphore(%run_scoped3A : memref<!tpu.dma_semaphore, #tpu.memory_space<semaphore_mem>>)
      %dma_wait3A_85 = arith.constant 0 : i32
      %dma_wait3A_86 = tpu.memref_slice %arg2[%add3A_48, %dma_wait3A_85] : memref<4096x1024xf32, #tpu.memory_space<hbm>> -> memref<32x1024xf32, #tpu.memory_space<hbm>>
      %dma_wait3A_87 = arith.constant 0 : i32
      %dma_wait3A_88 = tpu.memref_slice %arg2[%add3A_48, %dma_wait3A_87] : memref<4096x1024xf32, #tpu.memory_space<hbm>> -> memref<32x1024xf32, #tpu.memory_space<hbm>>
      tpu.wait_dma2 semaphore(%run_scoped3A : memref<!tpu.dma_semaphore, #tpu.memory_space<semaphore_mem>>) src(%dma_wait3A_88 : memref<32x1024xf32, #tpu.memory_space<hbm>>) dst(%arg6 : memref<32x1024xf32, #tpu.memory_space<vmem>>)
      tpu.yield
    }) : () -> ()
    %dma_start3A_49 = arith.constant 2 : i32
    %dma_start3A_50 = arith.constant 0 : i32
    %dma_start3A_51 = tpu.memref_slice %arg5[%dma_start3A_49, %dma_start3A_50] : memref<4x32xi32, #tpu.memory_space<vmem>> -> memref<1x32xi32, #tpu.memory_space<vmem>>
    %dma_start3A_52 = tpu.memref_squeeze %dma_start3A_51 : memref<1x32xi32, #tpu.memory_space<vmem>> -> memref<32xi32, #tpu.memory_space<vmem>>
    %dma_start3A_53 = arith.constant 0 : i32
    %dma_start3A_54 = arith.constant 0 : i32
    %dma_start3A_55 = tpu.memref_slice %arg4[%dma_start3A_53, %dma_start3A_54] : memref<16384x1024xf32, #tpu.memory_space<hbm>> -> memref<16384x1024xf32, #tpu.memory_space<hbm>>
    tpu.enqueue_indirect_dma source(%arg6 : memref<32x1024xf32, #tpu.memory_space<vmem>>) target(%dma_start3A_55 : memref<16384x1024xf32, #tpu.memory_space<hbm>>) offsets(%dma_start3A_52 : memref<32xi32, #tpu.memory_space<vmem>>) semaphore(%arg7 : memref<!tpu.dma_semaphore, #tpu.memory_space<semaphore_mem>>)
    %dma_wait3A_56 = arith.constant 2 : i32
    %dma_wait3A_57 = arith.constant 0 : i32
    %dma_wait3A_58 = tpu.memref_slice %arg5[%dma_wait3A_56, %dma_wait3A_57] : memref<4x32xi32, #tpu.memory_space<vmem>> -> memref<1x32xi32, #tpu.memory_space<vmem>>
    %dma_wait3A_59 = tpu.memref_squeeze %dma_wait3A_58 : memref<1x32xi32, #tpu.memory_space<vmem>> -> memref<32xi32, #tpu.memory_space<vmem>>
    %dma_wait3A_60 = arith.constant 0 : i32
    %dma_wait3A_61 = arith.constant 0 : i32
    %dma_wait3A_62 = tpu.memref_slice %arg4[%dma_wait3A_60, %dma_wait3A_61] : memref<16384x1024xf32, #tpu.memory_space<hbm>> -> memref<16384x1024xf32, #tpu.memory_space<hbm>>
    tpu.wait_indirect_dma semaphore(%arg7 : memref<!tpu.dma_semaphore, #tpu.memory_space<semaphore_mem>>) src(%arg6 : memref<32x1024xf32, #tpu.memory_space<vmem>>) dst(%dma_wait3A_62 : memref<16384x1024xf32, #tpu.memory_space<hbm>>)
    %mul3A_63 = arith.constant 128 : i32
    %mul3A_64 = arith.muli %add3A, %mul3A_63 : i32
    %add3A_65 = arith.constant 96 : i32
    %add3A_66 = arith.addi %mul3A_64, %add3A_65 : i32
    "tpu.region"() ({
      %run_scoped3A = tpu.sem_alloc : memref<!tpu.dma_semaphore, #tpu.memory_space<semaphore_mem>>
      %dma_start3A_81 = arith.constant 0 : i32
      %dma_start3A_82 = tpu.memref_slice %arg2[%add3A_66, %dma_start3A_81] : memref<4096x1024xf32, #tpu.memory_space<hbm>> -> memref<32x1024xf32, #tpu.memory_space<hbm>>
      %dma_start3A_83 = arith.constant 0 : i32
      %dma_start3A_84 = tpu.memref_slice %arg2[%add3A_66, %dma_start3A_83] : memref<4096x1024xf32, #tpu.memory_space<hbm>> -> memref<32x1024xf32, #tpu.memory_space<hbm>>
      tpu.enqueue_dma source(%dma_start3A_84 : memref<32x1024xf32, #tpu.memory_space<hbm>>) target(%arg6 : memref<32x1024xf32, #tpu.memory_space<vmem>>) target_semaphore(%run_scoped3A : memref<!tpu.dma_semaphore, #tpu.memory_space<semaphore_mem>>)
      %dma_wait3A_85 = arith.constant 0 : i32
      %dma_wait3A_86 = tpu.memref_slice %arg2[%add3A_66, %dma_wait3A_85] : memref<4096x1024xf32, #tpu.memory_space<hbm>> -> memref<32x1024xf32, #tpu.memory_space<hbm>>
      %dma_wait3A_87 = arith.constant 0 : i32
      %dma_wait3A_88 = tpu.memref_slice %arg2[%add3A_66, %dma_wait3A_87] : memref<4096x1024xf32, #tpu.memory_space<hbm>> -> memref<32x1024xf32, #tpu.memory_space<hbm>>
      tpu.wait_dma2 semaphore(%run_scoped3A : memref<!tpu.dma_semaphore, #tpu.memory_space<semaphore_mem>>) src(%dma_wait3A_88 : memref<32x1024xf32, #tpu.memory_space<hbm>>) dst(%arg6 : memref<32x1024xf32, #tpu.memory_space<vmem>>)
      tpu.yield
    }) : () -> ()
    %dma_start3A_67 = arith.constant 3 : i32
    %dma_start3A_68 = arith.constant 0 : i32
    %dma_start3A_69 = tpu.memref_slice %arg5[%dma_start3A_67, %dma_start3A_68] : memref<4x32xi32, #tpu.memory_space<vmem>> -> memref<1x32xi32, #tpu.memory_space<vmem>>
    %dma_start3A_70 = tpu.memref_squeeze %dma_start3A_69 : memref<1x32xi32, #tpu.memory_space<vmem>> -> memref<32xi32, #tpu.memory_space<vmem>>
    %dma_start3A_71 = arith.constant 0 : i32
    %dma_start3A_72 = arith.constant 0 : i32
    %dma_start3A_73 = tpu.memref_slice %arg4[%dma_start3A_71, %dma_start3A_72] : memref<16384x1024xf32, #tpu.memory_space<hbm>> -> memref<16384x1024xf32, #tpu.memory_space<hbm>>
    tpu.enqueue_indirect_dma source(%arg6 : memref<32x1024xf32, #tpu.memory_space<vmem>>) target(%dma_start3A_73 : memref<16384x1024xf32, #tpu.memory_space<hbm>>) offsets(%dma_start3A_70 : memref<32xi32, #tpu.memory_space<vmem>>) semaphore(%arg7 : memref<!tpu.dma_semaphore, #tpu.memory_space<semaphore_mem>>)
    %dma_wait3A_74 = arith.constant 3 : i32
    %dma_wait3A_75 = arith.constant 0 : i32
    %dma_wait3A_76 = tpu.memref_slice %arg5[%dma_wait3A_74, %dma_wait3A_75] : memref<4x32xi32, #tpu.memory_space<vmem>> -> memref<1x32xi32, #tpu.memory_space<vmem>>
    %dma_wait3A_77 = tpu.memref_squeeze %dma_wait3A_76 : memref<1x32xi32, #tpu.memory_space<vmem>> -> memref<32xi32, #tpu.memory_space<vmem>>
    %dma_wait3A_78 = arith.constant 0 : i32
    %dma_wait3A_79 = arith.constant 0 : i32
    %dma_wait3A_80 = tpu.memref_slice %arg4[%dma_wait3A_78, %dma_wait3A_79] : memref<16384x1024xf32, #tpu.memory_space<hbm>> -> memref<16384x1024xf32, #tpu.memory_space<hbm>>
    tpu.wait_indirect_dma semaphore(%arg7 : memref<!tpu.dma_semaphore, #tpu.memory_space<semaphore_mem>>) src(%arg6 : memref<32x1024xf32, #tpu.memory_space<vmem>>) dst(%dma_wait3A_80 : memref<16384x1024xf32, #tpu.memory_space<hbm>>)
    return
  }
}

#map = affine_map<(d0, d1) -> (0, 0)>
module attributes {stable_mosaic.version = 14 : i64} {
  func.func @sc_combine(%arg0: i32, %arg1: i32, %arg2: memref<16384x1024xf32, #tpu.memory_space<hbm>>, %arg3: memref<128x32xi32, #tpu.memory_space<hbm>>, %arg4: memref<4096x1024xf32, #tpu.memory_space<hbm>>, %arg5: memref<4x32xi32, #tpu.memory_space<vmem>>, %arg6: memref<32x1024xf32, #tpu.memory_space<vmem>>, %arg7: memref<!tpu.dma_semaphore, #tpu.memory_space<semaphore_mem>>, %arg8: memref<!tpu.dma_semaphore, #tpu.memory_space<semaphore_mem>>) attributes {dimension_semantics = [#tpu.dimension_semantics<core_parallel>, #tpu.dimension_semantics<subcore_parallel>], iteration_bounds = array<i64: 2, 16>, scalar_prefetch = 0 : i64, scratch_operands = 4 : i64, tpu.core_type = #tpu.core_type<sc_vector_subcore>, window_params = [{transform_indices = #map}, {transform_indices = #map}, {transform_indices = #map}]} {
    %mul3A = arith.constant 2 : i32
    %mul3A_0 = arith.muli %arg1, %mul3A : i32
    %add3A = arith.addi %mul3A_0, %arg0 : i32
    %mul3A_1 = arith.constant 4 : i32
    %mul3A_2 = arith.muli %add3A, %mul3A_1 : i32
    %dma_start3A = arith.constant 0 : i32
    %dma_start3A_3 = tpu.memref_slice %arg3[%mul3A_2, %dma_start3A] : memref<128x32xi32, #tpu.memory_space<hbm>> -> memref<4x32xi32, #tpu.memory_space<hbm>>
    %dma_start3A_4 = arith.constant 0 : i32
    %dma_start3A_5 = tpu.memref_slice %arg3[%mul3A_2, %dma_start3A_4] : memref<128x32xi32, #tpu.memory_space<hbm>> -> memref<4x32xi32, #tpu.memory_space<hbm>>
    tpu.enqueue_dma source(%dma_start3A_5 : memref<4x32xi32, #tpu.memory_space<hbm>>) target(%arg5 : memref<4x32xi32, #tpu.memory_space<vmem>>) target_semaphore(%arg8 : memref<!tpu.dma_semaphore, #tpu.memory_space<semaphore_mem>>)
    %dma_wait3A = arith.constant 0 : i32
    %dma_wait3A_6 = tpu.memref_slice %arg3[%mul3A_2, %dma_wait3A] : memref<128x32xi32, #tpu.memory_space<hbm>> -> memref<4x32xi32, #tpu.memory_space<hbm>>
    %dma_wait3A_7 = arith.constant 0 : i32
    %dma_wait3A_8 = tpu.memref_slice %arg3[%mul3A_2, %dma_wait3A_7] : memref<128x32xi32, #tpu.memory_space<hbm>> -> memref<4x32xi32, #tpu.memory_space<hbm>>
    tpu.wait_dma2 semaphore(%arg8 : memref<!tpu.dma_semaphore, #tpu.memory_space<semaphore_mem>>) src(%dma_wait3A_8 : memref<4x32xi32, #tpu.memory_space<hbm>>) dst(%arg5 : memref<4x32xi32, #tpu.memory_space<vmem>>)
    %mul3A_9 = arith.constant 128 : i32
    %mul3A_10 = arith.muli %add3A, %mul3A_9 : i32
    %add3A_11 = arith.constant 0 : i32
    %add3A_12 = arith.addi %mul3A_10, %add3A_11 : i32
    %dma_start3A_13 = arith.constant 0 : i32
    %dma_start3A_14 = arith.constant 0 : i32
    %dma_start3A_15 = tpu.memref_slice %arg5[%dma_start3A_13, %dma_start3A_14] : memref<4x32xi32, #tpu.memory_space<vmem>> -> memref<1x32xi32, #tpu.memory_space<vmem>>
    %dma_start3A_16 = tpu.memref_squeeze %dma_start3A_15 : memref<1x32xi32, #tpu.memory_space<vmem>> -> memref<32xi32, #tpu.memory_space<vmem>>
    %dma_start3A_17 = arith.constant 0 : i32
    %dma_start3A_18 = arith.constant 0 : i32
    %dma_start3A_19 = tpu.memref_slice %arg2[%dma_start3A_17, %dma_start3A_18] : memref<16384x1024xf32, #tpu.memory_space<hbm>> -> memref<16384x1024xf32, #tpu.memory_space<hbm>>
    tpu.enqueue_indirect_dma source(%dma_start3A_19 : memref<16384x1024xf32, #tpu.memory_space<hbm>>) target(%arg6 : memref<32x1024xf32, #tpu.memory_space<vmem>>) offsets(%dma_start3A_16 : memref<32xi32, #tpu.memory_space<vmem>>) semaphore(%arg7 : memref<!tpu.dma_semaphore, #tpu.memory_space<semaphore_mem>>)
    %dma_wait3A_20 = arith.constant 0 : i32
    %dma_wait3A_21 = arith.constant 0 : i32
    %dma_wait3A_22 = tpu.memref_slice %arg5[%dma_wait3A_20, %dma_wait3A_21] : memref<4x32xi32, #tpu.memory_space<vmem>> -> memref<1x32xi32, #tpu.memory_space<vmem>>
    %dma_wait3A_23 = tpu.memref_squeeze %dma_wait3A_22 : memref<1x32xi32, #tpu.memory_space<vmem>> -> memref<32xi32, #tpu.memory_space<vmem>>
    %dma_wait3A_24 = arith.constant 0 : i32
    %dma_wait3A_25 = arith.constant 0 : i32
    %dma_wait3A_26 = tpu.memref_slice %arg2[%dma_wait3A_24, %dma_wait3A_25] : memref<16384x1024xf32, #tpu.memory_space<hbm>> -> memref<16384x1024xf32, #tpu.memory_space<hbm>>
    tpu.wait_indirect_dma semaphore(%arg7 : memref<!tpu.dma_semaphore, #tpu.memory_space<semaphore_mem>>) src(%dma_wait3A_26 : memref<16384x1024xf32, #tpu.memory_space<hbm>>) dst(%arg6 : memref<32x1024xf32, #tpu.memory_space<vmem>>)
    "tpu.region"() ({
      %run_scoped3A = tpu.sem_alloc : memref<!tpu.dma_semaphore, #tpu.memory_space<semaphore_mem>>
      %dma_start3A_81 = arith.constant 0 : i32
      %dma_start3A_82 = tpu.memref_slice %arg4[%add3A_12, %dma_start3A_81] : memref<4096x1024xf32, #tpu.memory_space<hbm>> -> memref<32x1024xf32, #tpu.memory_space<hbm>>
      %dma_start3A_83 = arith.constant 0 : i32
      %dma_start3A_84 = tpu.memref_slice %arg4[%add3A_12, %dma_start3A_83] : memref<4096x1024xf32, #tpu.memory_space<hbm>> -> memref<32x1024xf32, #tpu.memory_space<hbm>>
      tpu.enqueue_dma source(%arg6 : memref<32x1024xf32, #tpu.memory_space<vmem>>) target(%dma_start3A_84 : memref<32x1024xf32, #tpu.memory_space<hbm>>) target_semaphore(%run_scoped3A : memref<!tpu.dma_semaphore, #tpu.memory_space<semaphore_mem>>)
      %dma_wait3A_85 = arith.constant 0 : i32
      %dma_wait3A_86 = tpu.memref_slice %arg4[%add3A_12, %dma_wait3A_85] : memref<4096x1024xf32, #tpu.memory_space<hbm>> -> memref<32x1024xf32, #tpu.memory_space<hbm>>
      %dma_wait3A_87 = arith.constant 0 : i32
      %dma_wait3A_88 = tpu.memref_slice %arg4[%add3A_12, %dma_wait3A_87] : memref<4096x1024xf32, #tpu.memory_space<hbm>> -> memref<32x1024xf32, #tpu.memory_space<hbm>>
      tpu.wait_dma2 semaphore(%run_scoped3A : memref<!tpu.dma_semaphore, #tpu.memory_space<semaphore_mem>>) src(%arg6 : memref<32x1024xf32, #tpu.memory_space<vmem>>) dst(%dma_wait3A_88 : memref<32x1024xf32, #tpu.memory_space<hbm>>)
      tpu.yield
    }) : () -> ()
    %mul3A_27 = arith.constant 128 : i32
    %mul3A_28 = arith.muli %add3A, %mul3A_27 : i32
    %add3A_29 = arith.constant 32 : i32
    %add3A_30 = arith.addi %mul3A_28, %add3A_29 : i32
    %dma_start3A_31 = arith.constant 1 : i32
    %dma_start3A_32 = arith.constant 0 : i32
    %dma_start3A_33 = tpu.memref_slice %arg5[%dma_start3A_31, %dma_start3A_32] : memref<4x32xi32, #tpu.memory_space<vmem>> -> memref<1x32xi32, #tpu.memory_space<vmem>>
    %dma_start3A_34 = tpu.memref_squeeze %dma_start3A_33 : memref<1x32xi32, #tpu.memory_space<vmem>> -> memref<32xi32, #tpu.memory_space<vmem>>
    %dma_start3A_35 = arith.constant 0 : i32
    %dma_start3A_36 = arith.constant 0 : i32
    %dma_start3A_37 = tpu.memref_slice %arg2[%dma_start3A_35, %dma_start3A_36] : memref<16384x1024xf32, #tpu.memory_space<hbm>> -> memref<16384x1024xf32, #tpu.memory_space<hbm>>
    tpu.enqueue_indirect_dma source(%dma_start3A_37 : memref<16384x1024xf32, #tpu.memory_space<hbm>>) target(%arg6 : memref<32x1024xf32, #tpu.memory_space<vmem>>) offsets(%dma_start3A_34 : memref<32xi32, #tpu.memory_space<vmem>>) semaphore(%arg7 : memref<!tpu.dma_semaphore, #tpu.memory_space<semaphore_mem>>)
    %dma_wait3A_38 = arith.constant 1 : i32
    %dma_wait3A_39 = arith.constant 0 : i32
    %dma_wait3A_40 = tpu.memref_slice %arg5[%dma_wait3A_38, %dma_wait3A_39] : memref<4x32xi32, #tpu.memory_space<vmem>> -> memref<1x32xi32, #tpu.memory_space<vmem>>
    %dma_wait3A_41 = tpu.memref_squeeze %dma_wait3A_40 : memref<1x32xi32, #tpu.memory_space<vmem>> -> memref<32xi32, #tpu.memory_space<vmem>>
    %dma_wait3A_42 = arith.constant 0 : i32
    %dma_wait3A_43 = arith.constant 0 : i32
    %dma_wait3A_44 = tpu.memref_slice %arg2[%dma_wait3A_42, %dma_wait3A_43] : memref<16384x1024xf32, #tpu.memory_space<hbm>> -> memref<16384x1024xf32, #tpu.memory_space<hbm>>
    tpu.wait_indirect_dma semaphore(%arg7 : memref<!tpu.dma_semaphore, #tpu.memory_space<semaphore_mem>>) src(%dma_wait3A_44 : memref<16384x1024xf32, #tpu.memory_space<hbm>>) dst(%arg6 : memref<32x1024xf32, #tpu.memory_space<vmem>>)
    "tpu.region"() ({
      %run_scoped3A = tpu.sem_alloc : memref<!tpu.dma_semaphore, #tpu.memory_space<semaphore_mem>>
      %dma_start3A_81 = arith.constant 0 : i32
      %dma_start3A_82 = tpu.memref_slice %arg4[%add3A_30, %dma_start3A_81] : memref<4096x1024xf32, #tpu.memory_space<hbm>> -> memref<32x1024xf32, #tpu.memory_space<hbm>>
      %dma_start3A_83 = arith.constant 0 : i32
      %dma_start3A_84 = tpu.memref_slice %arg4[%add3A_30, %dma_start3A_83] : memref<4096x1024xf32, #tpu.memory_space<hbm>> -> memref<32x1024xf32, #tpu.memory_space<hbm>>
      tpu.enqueue_dma source(%arg6 : memref<32x1024xf32, #tpu.memory_space<vmem>>) target(%dma_start3A_84 : memref<32x1024xf32, #tpu.memory_space<hbm>>) target_semaphore(%run_scoped3A : memref<!tpu.dma_semaphore, #tpu.memory_space<semaphore_mem>>)
      %dma_wait3A_85 = arith.constant 0 : i32
      %dma_wait3A_86 = tpu.memref_slice %arg4[%add3A_30, %dma_wait3A_85] : memref<4096x1024xf32, #tpu.memory_space<hbm>> -> memref<32x1024xf32, #tpu.memory_space<hbm>>
      %dma_wait3A_87 = arith.constant 0 : i32
      %dma_wait3A_88 = tpu.memref_slice %arg4[%add3A_30, %dma_wait3A_87] : memref<4096x1024xf32, #tpu.memory_space<hbm>> -> memref<32x1024xf32, #tpu.memory_space<hbm>>
      tpu.wait_dma2 semaphore(%run_scoped3A : memref<!tpu.dma_semaphore, #tpu.memory_space<semaphore_mem>>) src(%arg6 : memref<32x1024xf32, #tpu.memory_space<vmem>>) dst(%dma_wait3A_88 : memref<32x1024xf32, #tpu.memory_space<hbm>>)
      tpu.yield
    }) : () -> ()
    %mul3A_45 = arith.constant 128 : i32
    %mul3A_46 = arith.muli %add3A, %mul3A_45 : i32
    %add3A_47 = arith.constant 64 : i32
    %add3A_48 = arith.addi %mul3A_46, %add3A_47 : i32
    %dma_start3A_49 = arith.constant 2 : i32
    %dma_start3A_50 = arith.constant 0 : i32
    %dma_start3A_51 = tpu.memref_slice %arg5[%dma_start3A_49, %dma_start3A_50] : memref<4x32xi32, #tpu.memory_space<vmem>> -> memref<1x32xi32, #tpu.memory_space<vmem>>
    %dma_start3A_52 = tpu.memref_squeeze %dma_start3A_51 : memref<1x32xi32, #tpu.memory_space<vmem>> -> memref<32xi32, #tpu.memory_space<vmem>>
    %dma_start3A_53 = arith.constant 0 : i32
    %dma_start3A_54 = arith.constant 0 : i32
    %dma_start3A_55 = tpu.memref_slice %arg2[%dma_start3A_53, %dma_start3A_54] : memref<16384x1024xf32, #tpu.memory_space<hbm>> -> memref<16384x1024xf32, #tpu.memory_space<hbm>>
    tpu.enqueue_indirect_dma source(%dma_start3A_55 : memref<16384x1024xf32, #tpu.memory_space<hbm>>) target(%arg6 : memref<32x1024xf32, #tpu.memory_space<vmem>>) offsets(%dma_start3A_52 : memref<32xi32, #tpu.memory_space<vmem>>) semaphore(%arg7 : memref<!tpu.dma_semaphore, #tpu.memory_space<semaphore_mem>>)
    %dma_wait3A_56 = arith.constant 2 : i32
    %dma_wait3A_57 = arith.constant 0 : i32
    %dma_wait3A_58 = tpu.memref_slice %arg5[%dma_wait3A_56, %dma_wait3A_57] : memref<4x32xi32, #tpu.memory_space<vmem>> -> memref<1x32xi32, #tpu.memory_space<vmem>>
    %dma_wait3A_59 = tpu.memref_squeeze %dma_wait3A_58 : memref<1x32xi32, #tpu.memory_space<vmem>> -> memref<32xi32, #tpu.memory_space<vmem>>
    %dma_wait3A_60 = arith.constant 0 : i32
    %dma_wait3A_61 = arith.constant 0 : i32
    %dma_wait3A_62 = tpu.memref_slice %arg2[%dma_wait3A_60, %dma_wait3A_61] : memref<16384x1024xf32, #tpu.memory_space<hbm>> -> memref<16384x1024xf32, #tpu.memory_space<hbm>>
    tpu.wait_indirect_dma semaphore(%arg7 : memref<!tpu.dma_semaphore, #tpu.memory_space<semaphore_mem>>) src(%dma_wait3A_62 : memref<16384x1024xf32, #tpu.memory_space<hbm>>) dst(%arg6 : memref<32x1024xf32, #tpu.memory_space<vmem>>)
    "tpu.region"() ({
      %run_scoped3A = tpu.sem_alloc : memref<!tpu.dma_semaphore, #tpu.memory_space<semaphore_mem>>
      %dma_start3A_81 = arith.constant 0 : i32
      %dma_start3A_82 = tpu.memref_slice %arg4[%add3A_48, %dma_start3A_81] : memref<4096x1024xf32, #tpu.memory_space<hbm>> -> memref<32x1024xf32, #tpu.memory_space<hbm>>
      %dma_start3A_83 = arith.constant 0 : i32
      %dma_start3A_84 = tpu.memref_slice %arg4[%add3A_48, %dma_start3A_83] : memref<4096x1024xf32, #tpu.memory_space<hbm>> -> memref<32x1024xf32, #tpu.memory_space<hbm>>
      tpu.enqueue_dma source(%arg6 : memref<32x1024xf32, #tpu.memory_space<vmem>>) target(%dma_start3A_84 : memref<32x1024xf32, #tpu.memory_space<hbm>>) target_semaphore(%run_scoped3A : memref<!tpu.dma_semaphore, #tpu.memory_space<semaphore_mem>>)
      %dma_wait3A_85 = arith.constant 0 : i32
      %dma_wait3A_86 = tpu.memref_slice %arg4[%add3A_48, %dma_wait3A_85] : memref<4096x1024xf32, #tpu.memory_space<hbm>> -> memref<32x1024xf32, #tpu.memory_space<hbm>>
      %dma_wait3A_87 = arith.constant 0 : i32
      %dma_wait3A_88 = tpu.memref_slice %arg4[%add3A_48, %dma_wait3A_87] : memref<4096x1024xf32, #tpu.memory_space<hbm>> -> memref<32x1024xf32, #tpu.memory_space<hbm>>
      tpu.wait_dma2 semaphore(%run_scoped3A : memref<!tpu.dma_semaphore, #tpu.memory_space<semaphore_mem>>) src(%arg6 : memref<32x1024xf32, #tpu.memory_space<vmem>>) dst(%dma_wait3A_88 : memref<32x1024xf32, #tpu.memory_space<hbm>>)
      tpu.yield
    }) : () -> ()
    %mul3A_63 = arith.constant 128 : i32
    %mul3A_64 = arith.muli %add3A, %mul3A_63 : i32
    %add3A_65 = arith.constant 96 : i32
    %add3A_66 = arith.addi %mul3A_64, %add3A_65 : i32
    %dma_start3A_67 = arith.constant 3 : i32
    %dma_start3A_68 = arith.constant 0 : i32
    %dma_start3A_69 = tpu.memref_slice %arg5[%dma_start3A_67, %dma_start3A_68] : memref<4x32xi32, #tpu.memory_space<vmem>> -> memref<1x32xi32, #tpu.memory_space<vmem>>
    %dma_start3A_70 = tpu.memref_squeeze %dma_start3A_69 : memref<1x32xi32, #tpu.memory_space<vmem>> -> memref<32xi32, #tpu.memory_space<vmem>>
    %dma_start3A_71 = arith.constant 0 : i32
    %dma_start3A_72 = arith.constant 0 : i32
    %dma_start3A_73 = tpu.memref_slice %arg2[%dma_start3A_71, %dma_start3A_72] : memref<16384x1024xf32, #tpu.memory_space<hbm>> -> memref<16384x1024xf32, #tpu.memory_space<hbm>>
    tpu.enqueue_indirect_dma source(%dma_start3A_73 : memref<16384x1024xf32, #tpu.memory_space<hbm>>) target(%arg6 : memref<32x1024xf32, #tpu.memory_space<vmem>>) offsets(%dma_start3A_70 : memref<32xi32, #tpu.memory_space<vmem>>) semaphore(%arg7 : memref<!tpu.dma_semaphore, #tpu.memory_space<semaphore_mem>>)
    %dma_wait3A_74 = arith.constant 3 : i32
    %dma_wait3A_75 = arith.constant 0 : i32
    %dma_wait3A_76 = tpu.memref_slice %arg5[%dma_wait3A_74, %dma_wait3A_75] : memref<4x32xi32, #tpu.memory_space<vmem>> -> memref<1x32xi32, #tpu.memory_space<vmem>>
    %dma_wait3A_77 = tpu.memref_squeeze %dma_wait3A_76 : memref<1x32xi32, #tpu.memory_space<vmem>> -> memref<32xi32, #tpu.memory_space<vmem>>
    %dma_wait3A_78 = arith.constant 0 : i32
    %dma_wait3A_79 = arith.constant 0 : i32
    %dma_wait3A_80 = tpu.memref_slice %arg2[%dma_wait3A_78, %dma_wait3A_79] : memref<16384x1024xf32, #tpu.memory_space<hbm>> -> memref<16384x1024xf32, #tpu.memory_space<hbm>>
    tpu.wait_indirect_dma semaphore(%arg7 : memref<!tpu.dma_semaphore, #tpu.memory_space<semaphore_mem>>) src(%dma_wait3A_80 : memref<16384x1024xf32, #tpu.memory_space<hbm>>) dst(%arg6 : memref<32x1024xf32, #tpu.memory_space<vmem>>)
    "tpu.region"() ({
      %run_scoped3A = tpu.sem_alloc : memref<!tpu.dma_semaphore, #tpu.memory_space<semaphore_mem>>
      %dma_start3A_81 = arith.constant 0 : i32
      %dma_start3A_82 = tpu.memref_slice %arg4[%add3A_66, %dma_start3A_81] : memref<4096x1024xf32, #tpu.memory_space<hbm>> -> memref<32x1024xf32, #tpu.memory_space<hbm>>
      %dma_start3A_83 = arith.constant 0 : i32
      %dma_start3A_84 = tpu.memref_slice %arg4[%add3A_66, %dma_start3A_83] : memref<4096x1024xf32, #tpu.memory_space<hbm>> -> memref<32x1024xf32, #tpu.memory_space<hbm>>
      tpu.enqueue_dma source(%arg6 : memref<32x1024xf32, #tpu.memory_space<vmem>>) target(%dma_start3A_84 : memref<32x1024xf32, #tpu.memory_space<hbm>>) target_semaphore(%run_scoped3A : memref<!tpu.dma_semaphore, #tpu.memory_space<semaphore_mem>>)
      %dma_wait3A_85 = arith.constant 0 : i32
      %dma_wait3A_86 = tpu.memref_slice %arg4[%add3A_66, %dma_wait3A_85] : memref<4096x1024xf32, #tpu.memory_space<hbm>> -> memref<32x1024xf32, #tpu.memory_space<hbm>>
      %dma_wait3A_87 = arith.constant 0 : i32
      %dma_wait3A_88 = tpu.memref_slice %arg4[%add3A_66, %dma_wait3A_87] : memref<4096x1024xf32, #tpu.memory_space<hbm>> -> memref<32x1024xf32, #tpu.memory_space<hbm>>
      tpu.wait_dma2 semaphore(%run_scoped3A : memref<!tpu.dma_semaphore, #tpu.memory_space<semaphore_mem>>) src(%arg6 : memref<32x1024xf32, #tpu.memory_space<vmem>>) dst(%dma_wait3A_88 : memref<32x1024xf32, #tpu.memory_space<hbm>>)
      tpu.yield
    }) : () -> ()
    return
  }
}

module attributes {stable_mosaic.version = 14 : i64} {
  func.func @_route_kernel(%arg0: i32, %arg1: memref<512x1024xf32, #tpu.memory_space<vmem>>, %arg2: memref<1024x4xf32, #tpu.memory_space<vmem>>, %arg3: memref<1x4xf32, #tpu.memory_space<vmem>>, %arg4: memref<512x1xi32, #tpu.memory_space<vmem>>, %arg5: memref<1x4xi32, #tpu.memory_space<vmem>>, %arg6: memref<1x4xf32, #tpu.memory_space<vmem>>) attributes {dimension_semantics = [#tpu.dimension_semantics<arbitrary>], iteration_bounds = array<i64: 8>, scalar_prefetch = 0 : i64, scratch_operands = 1 : i64, tpu.core_type = #tpu.core_type<tc>, window_params = [{transform_indices = @transform_0, window_bounds = array<i64: 512, 1024>}, {pipeline_mode = #tpu.pipeline_mode<synchronous>, transform_indices = @transform_1, window_bounds = array<i64: 1024, 4>}, {pipeline_mode = #tpu.pipeline_mode<synchronous>, transform_indices = @transform_2, window_bounds = array<i64: 1, 4>}, {transform_indices = @transform_3, window_bounds = array<i64: 512, 1>}, {pipeline_mode = #tpu.pipeline_mode<synchronous>, transform_indices = @transform_4, window_bounds = array<i64: 1, 4>}]} {
    %eq3A = arith.constant 0 : i32
    %eq3A_0 = arith.cmpi eq, %arg0, %eq3A : i32
    %convert_element_type3A = arith.extui %eq3A_0 : i1 to i32
    %cond3A = arith.constant 0 : i32
    %cond3A_1 = arith.cmpi ne, %convert_element_type3A, %cond3A : i32
    scf.if %cond3A_1 {
      %broadcast_in_dim3A_56 = arith.constant 0.000000e+00 : f32
      %broadcast_in_dim3A_57 = vector.broadcast %broadcast_in_dim3A_56 : f32 to vector<1x4xf32>
      %swap3A_58 = arith.constant 0 : index
      %swap3A_59 = arith.constant 0 : index
      %swap3A_60 = vector.load %arg6[%swap3A_58, %swap3A_59] : memref<1x4xf32, #tpu.memory_space<vmem>>, vector<1x4xf32>
      tpu.vector_store %arg6[%swap3A_58, %swap3A_59], %broadcast_in_dim3A_57 {strides = array<i32>} : memref<1x4xf32, #tpu.memory_space<vmem>>, vector<1x4xf32>,
    } else {
    }
    %iota3A = tpu.iota {dimensions = array<i32: 1>} : vector<512x4xi32>
    %iota3A_2 = tpu.iota {dimensions = array<i32: 0>} : vector<512x512xi32>
    %iota3A_3 = tpu.iota {dimensions = array<i32: 1>} : vector<512x512xi32>
    %lt3A = arith.cmpi slt, %iota3A_3, %iota3A_2 : vector<512x512xi32>
    %convert_element_type3A_4 = arith.extui %lt3A : vector<512x512xi1> to vector<512x512xi32>
    %convert_element_type3A_5 = arith.sitofp %convert_element_type3A_4 : vector<512x512xi32> to vector<512x512xf32>
    %get3A = arith.constant 0 : index
    %get3A_6 = arith.constant 0 : index
    %get3A_7 = vector.load %arg1[%get3A, %get3A_6] : memref<512x1024xf32, #tpu.memory_space<vmem>>, vector<512x1024xf32>
    %get3A_8 = arith.constant 0 : index
    %get3A_9 = arith.constant 0 : index
    %get3A_10 = vector.load %arg2[%get3A_8, %get3A_9] : memref<1024x4xf32, #tpu.memory_space<vmem>>, vector<1024x4xf32>
    %dot_general3A = arith.constant dense<0.000000e+00> : vector<512x4xf32>
    %dot_general3A_11 = tpu.matmul %get3A_7, %get3A_10, %dot_general3A {dimension_numbers = #tpu.dot_dimension_numbers<[1], [0], [0], [1], [0, 0, 1, 1], [], []>, transpose_lhs_hint = false} : vector<512x1024xf32>, vector<1024x4xf32>, vector<512x4xf32> -> vector<512x4xf32>
    %get3A_12 = arith.constant 0 : index
    %get3A_13 = arith.constant 0 : index
    %get3A_14 = vector.load %arg3[%get3A_12, %get3A_13] : memref<1x4xf32, #tpu.memory_space<vmem>>, vector<1x4xf32>
    %add3A = vector.broadcast %get3A_14 : vector<1x4xf32> to vector<512x4xf32>
    %add3A_15 = arith.addf %dot_general3A_11, %add3A : vector<512x4xf32>
    %reduce_max3A = arith.constant dense<0xFF800000> : vector<512xf32>
    %reduce_max3A_16 = vector.multi_reduction <maximumf>, %add3A_15, %reduce_max3A [1] : vector<512x4xf32> to vector<512xf32>
    %broadcast_in_dim3A = vector.shape_cast %reduce_max3A_16 : vector<512xf32> to vector<512x1xf32>
    %ge3A = vector.broadcast %broadcast_in_dim3A : vector<512x1xf32> to vector<512x4xf32>
    %ge3A_17 = arith.cmpf oge, %add3A_15, %ge3A : vector<512x4xf32>
    %jit3A = arith.constant 4 : i32
    %broadcast_in_dim3A_18 = vector.broadcast %jit3A : i32 to vector<512x4xi32>
    %select_n3A = arith.select %ge3A_17, %iota3A, %broadcast_in_dim3A_18 : vector<512x4xi1>, vector<512x4xi32>
    %reduce_min3A = arith.constant dense<2147483647> : vector<512xi32>
    %reduce_min3A_19 = vector.multi_reduction <minsi>, %select_n3A, %reduce_min3A [1] : vector<512x4xi32> to vector<512xi32>
    %broadcast_in_dim3A_20 = vector.shape_cast %reduce_min3A_19 : vector<512xi32> to vector<512x1xi32>
    %eq3A_21 = vector.broadcast %broadcast_in_dim3A_20 : vector<512x1xi32> to vector<512x4xi32>
    %eq3A_22 = arith.cmpi eq, %iota3A, %eq3A_21 : vector<512x4xi32>
    %convert_element_type3A_23 = arith.extui %eq3A_22 : vector<512x4xi1> to vector<512x4xi32>
    %convert_element_type3A_24 = arith.sitofp %convert_element_type3A_23 : vector<512x4xi32> to vector<512x4xf32>
    %dot_general3A_25 = arith.constant dense<0.000000e+00> : vector<512x4xf32>
    %dot_general3A_26 = tpu.matmul %convert_element_type3A_5, %convert_element_type3A_24, %dot_general3A_25 {dimension_numbers = #tpu.dot_dimension_numbers<[1], [0], [0], [1], [0, 0, 1, 1], [], []>, transpose_lhs_hint = false} : vector<512x512xf32>, vector<512x4xf32>, vector<512x4xf32> -> vector<512x4xf32>
    %mul3A = arith.mulf %dot_general3A_26, %convert_element_type3A_24 : vector<512x4xf32>
    %reduce_sum3A = arith.constant dense<0.000000e+00> : vector<512xf32>
    %reduce_sum3A_27 = vector.multi_reduction <add>, %mul3A, %reduce_sum3A [1] : vector<512x4xf32> to vector<512xf32>
    %broadcast_in_dim3A_28 = vector.shape_cast %reduce_sum3A_27 : vector<512xf32> to vector<512x1xf32>
    %get3A_29 = arith.constant 0 : index
    %get3A_30 = arith.constant 0 : index
    %get3A_31 = vector.load %arg6[%get3A_29, %get3A_30] : memref<1x4xf32, #tpu.memory_space<vmem>>, vector<1x4xf32>
    %mul3A_32 = vector.broadcast %get3A_31 : vector<1x4xf32> to vector<512x4xf32>
    %mul3A_33 = arith.mulf %convert_element_type3A_24, %mul3A_32 : vector<512x4xf32>
    %reduce_sum3A_34 = arith.constant dense<0.000000e+00> : vector<512xf32>
    %reduce_sum3A_35 = vector.multi_reduction <add>, %mul3A_33, %reduce_sum3A_34 [1] : vector<512x4xf32> to vector<512xf32>
    %broadcast_in_dim3A_36 = vector.shape_cast %reduce_sum3A_35 : vector<512xf32> to vector<512x1xf32>
    %add3A_37 = arith.addf %broadcast_in_dim3A_28, %broadcast_in_dim3A_36 : vector<512x1xf32>
    %mul3A_38 = arith.constant 4096 : i32
    %mul3A_39 = vector.broadcast %mul3A_38 : i32 to vector<512x1xi32>
    %mul3A_40 = arith.muli %broadcast_in_dim3A_20, %mul3A_39 : vector<512x1xi32>
    %convert_element_type3A_41 = arith.fptosi %add3A_37 : vector<512x1xf32> to vector<512x1xi32>
    %add3A_42 = arith.addi %mul3A_40, %convert_element_type3A_41 : vector<512x1xi32>
    %swap3A = arith.constant 0 : index
    %swap3A_43 = arith.constant 0 : index
    %swap3A_44 = vector.load %arg4[%swap3A, %swap3A_43] : memref<512x1xi32, #tpu.memory_space<vmem>>, vector<512x1xi32>
    tpu.vector_store %arg4[%swap3A, %swap3A_43], %add3A_42 {strides = array<i32>} : memref<512x1xi32, #tpu.memory_space<vmem>>, vector<512x1xi32>,
    %reduce_sum3A_45 = arith.constant dense<0.000000e+00> : vector<4xf32>
    %reduce_sum3A_46 = vector.multi_reduction <add>, %convert_element_type3A_24, %reduce_sum3A_45 [0] : vector<512x4xf32> to vector<4xf32>
    %broadcast_in_dim3A_47 = vector.shape_cast %reduce_sum3A_46 : vector<4xf32> to vector<1x4xf32>
    %add3A_48 = arith.addf %get3A_31, %broadcast_in_dim3A_47 : vector<1x4xf32>
    %swap3A_49 = arith.constant 0 : index
    %swap3A_50 = arith.constant 0 : index
    %swap3A_51 = vector.load %arg6[%swap3A_49, %swap3A_50] : memref<1x4xf32, #tpu.memory_space<vmem>>, vector<1x4xf32>
    tpu.vector_store %arg6[%swap3A_49, %swap3A_50], %add3A_48 {strides = array<i32>} : memref<1x4xf32, #tpu.memory_space<vmem>>, vector<1x4xf32>,
    %convert_element_type3A_52 = arith.fptosi %add3A_48 : vector<1x4xf32> to vector<1x4xi32>
    %swap3A_53 = arith.constant 0 : index
    %swap3A_54 = arith.constant 0 : index
    %swap3A_55 = vector.load %arg5[%swap3A_53, %swap3A_54] : memref<1x4xi32, #tpu.memory_space<vmem>>, vector<1x4xi32>
    tpu.vector_store %arg5[%swap3A_53, %swap3A_54], %convert_element_type3A_52 {strides = array<i32>} : memref<1x4xi32, #tpu.memory_space<vmem>>, vector<1x4xi32>,
    return
  }
  func.func @transform_0(%arg0: i32) -> (i32, i32) {
    %c0_i32 = arith.constant 0 : i32
    %c0_i32_0 = arith.constant 0 : i32
    return %arg0, %c0_i32 : i32, i32
  }
  func.func @transform_1(%arg0: i32) -> (i32, i32) {
    %c0_i32 = arith.constant 0 : i32
    %c0_i32_0 = arith.constant 0 : i32
    %c0_i32_1 = arith.constant 0 : i32
    return %c0_i32, %c0_i32_0 : i32, i32
  }
  func.func @transform_2(%arg0: i32) -> (i32, i32) {
    %c0_i32 = arith.constant 0 : i32
    %c0_i32_0 = arith.constant 0 : i32
    %c0_i32_1 = arith.constant 0 : i32
    return %c0_i32, %c0_i32_0 : i32, i32
  }
  func.func @transform_3(%arg0: i32) -> (i32, i32) {
    %c0_i32 = arith.constant 0 : i32
    %c0_i32_0 = arith.constant 0 : i32
    return %arg0, %c0_i32 : i32, i32
  }
  func.func @transform_4(%arg0: i32) -> (i32, i32) {
    %c0_i32 = arith.constant 0 : i32
    %c0_i32_0 = arith.constant 0 : i32
    %c0_i32_1 = arith.constant 0 : i32
    return %c0_i32, %c0_i32_0 : i32, i32
  }
}

module attributes {stable_mosaic.version = 14 : i64} {
  func.func @_mlp_kernel(%arg0: i32, %arg1: memref<4xi32, #tpu.memory_space<smem>>, %arg2: memref<512x1024xf32, #tpu.memory_space<vmem>>, %arg3: memref<1x1024x1024xf32, #tpu.memory_space<vmem>>, %arg4: memref<1x1x1024xf32, #tpu.memory_space<vmem>>, %arg5: memref<1x1024x1024xf32, #tpu.memory_space<vmem>>, %arg6: memref<1x1x1024xf32, #tpu.memory_space<vmem>>, %arg7: memref<1024x1024xf32, #tpu.memory_space<vmem>>, %arg8: memref<1x1024xf32, #tpu.memory_space<vmem>>, %arg9: memref<512x1024xf32, #tpu.memory_space<vmem>>) attributes {dimension_semantics = [#tpu.dimension_semantics<arbitrary>], iteration_bounds = array<i64: 11>, scalar_prefetch = 1 : i64, scratch_operands = 0 : i64, tpu.core_type = #tpu.core_type<tc>, window_params = [{transform_indices = @transform_0, window_bounds = array<i64: 512, 1024>}, {transform_indices = @transform_1, window_bounds = array<i64: 1, 1024, 1024>}, {transform_indices = @transform_2, window_bounds = array<i64: 1, 1, 1024>}, {transform_indices = @transform_3, window_bounds = array<i64: 1, 1024, 1024>}, {transform_indices = @transform_4, window_bounds = array<i64: 1, 1, 1024>}, {pipeline_mode = #tpu.pipeline_mode<synchronous>, transform_indices = @transform_5, window_bounds = array<i64: 1024, 1024>}, {pipeline_mode = #tpu.pipeline_mode<synchronous>, transform_indices = @transform_6, window_bounds = array<i64: 1, 1024>}, {transform_indices = @transform_7, window_bounds = array<i64: 512, 1024>}]} {
    %get3A = arith.constant 0 : index
    %get3A_0 = arith.constant 0 : index
    %get3A_1 = vector.load %arg2[%get3A, %get3A_0] : memref<512x1024xf32, #tpu.memory_space<vmem>>, vector<512x1024xf32>
    %get3A_2 = arith.constant 0 : index
    %get3A_3 = arith.constant 0 : index
    %get3A_4 = arith.constant 0 : index
    %get3A_5 = vector.load %arg3[%get3A_2, %get3A_3, %get3A_4] : memref<1x1024x1024xf32, #tpu.memory_space<vmem>>, vector<1x1024x1024xf32>
    %get3A_6 = vector.shape_cast %get3A_5 : vector<1x1024x1024xf32> to vector<1024x1024xf32>
    %dot_general3A = arith.constant dense<0.000000e+00> : vector<512x1024xf32>
    %dot_general3A_7 = tpu.matmul %get3A_1, %get3A_6, %dot_general3A {dimension_numbers = #tpu.dot_dimension_numbers<[1], [0], [0], [1], [0, 0, 1, 1], [], []>, transpose_lhs_hint = false} : vector<512x1024xf32>, vector<1024x1024xf32>, vector<512x1024xf32> -> vector<512x1024xf32>
    %get3A_8 = arith.constant 0 : index
    %get3A_9 = arith.constant 0 : index
    %get3A_10 = arith.constant 0 : index
    %get3A_11 = vector.load %arg4[%get3A_8, %get3A_9, %get3A_10] : memref<1x1x1024xf32, #tpu.memory_space<vmem>>, vector<1x1x1024xf32>
    %get3A_12 = vector.shape_cast %get3A_11 : vector<1x1x1024xf32> to vector<1x1024xf32>
    %add3A = vector.broadcast %get3A_12 : vector<1x1024xf32> to vector<512x1024xf32>
    %add3A_13 = arith.addf %dot_general3A_7, %add3A : vector<512x1024xf32>
    %max3A = arith.constant 0.000000e+00 : f32
    %max3A_14 = vector.broadcast %max3A : f32 to vector<512x1024xf32>
    %max3A_15 = arith.maximumf %add3A_13, %max3A_14 : vector<512x1024xf32>
    %get3A_16 = arith.constant 0 : index
    %get3A_17 = arith.constant 0 : index
    %get3A_18 = arith.constant 0 : index
    %get3A_19 = vector.load %arg5[%get3A_16, %get3A_17, %get3A_18] : memref<1x1024x1024xf32, #tpu.memory_space<vmem>>, vector<1x1024x1024xf32>
    %get3A_20 = vector.shape_cast %get3A_19 : vector<1x1024x1024xf32> to vector<1024x1024xf32>
    %dot_general3A_21 = arith.constant dense<0.000000e+00> : vector<512x1024xf32>
    %dot_general3A_22 = tpu.matmul %max3A_15, %get3A_20, %dot_general3A_21 {dimension_numbers = #tpu.dot_dimension_numbers<[1], [0], [0], [1], [0, 0, 1, 1], [], []>, transpose_lhs_hint = false} : vector<512x1024xf32>, vector<1024x1024xf32>, vector<512x1024xf32> -> vector<512x1024xf32>
    %get3A_23 = arith.constant 0 : index
    %get3A_24 = arith.constant 0 : index
    %get3A_25 = arith.constant 0 : index
    %get3A_26 = vector.load %arg6[%get3A_23, %get3A_24, %get3A_25] : memref<1x1x1024xf32, #tpu.memory_space<vmem>>, vector<1x1x1024xf32>
    %get3A_27 = vector.shape_cast %get3A_26 : vector<1x1x1024xf32> to vector<1x1024xf32>
    %add3A_28 = vector.broadcast %get3A_27 : vector<1x1024xf32> to vector<512x1024xf32>
    %add3A_29 = arith.addf %dot_general3A_22, %add3A_28 : vector<512x1024xf32>
    %max3A_30 = arith.constant 0.000000e+00 : f32
    %max3A_31 = vector.broadcast %max3A_30 : f32 to vector<512x1024xf32>
    %max3A_32 = arith.maximumf %add3A_29, %max3A_31 : vector<512x1024xf32>
    %get3A_33 = arith.constant 0 : index
    %get3A_34 = arith.constant 0 : index
    %get3A_35 = vector.load %arg7[%get3A_33, %get3A_34] : memref<1024x1024xf32, #tpu.memory_space<vmem>>, vector<1024x1024xf32>
    %dot_general3A_36 = arith.constant dense<0.000000e+00> : vector<512x1024xf32>
    %dot_general3A_37 = tpu.matmul %max3A_32, %get3A_35, %dot_general3A_36 {dimension_numbers = #tpu.dot_dimension_numbers<[1], [0], [0], [1], [0, 0, 1, 1], [], []>, transpose_lhs_hint = false} : vector<512x1024xf32>, vector<1024x1024xf32>, vector<512x1024xf32> -> vector<512x1024xf32>
    %get3A_38 = arith.constant 0 : index
    %get3A_39 = arith.constant 0 : index
    %get3A_40 = vector.load %arg8[%get3A_38, %get3A_39] : memref<1x1024xf32, #tpu.memory_space<vmem>>, vector<1x1024xf32>
    %add3A_41 = vector.broadcast %get3A_40 : vector<1x1024xf32> to vector<512x1024xf32>
    %add3A_42 = arith.addf %dot_general3A_37, %add3A_41 : vector<512x1024xf32>
    %max3A_43 = arith.constant 0.000000e+00 : f32
    %max3A_44 = vector.broadcast %max3A_43 : f32 to vector<512x1024xf32>
    %max3A_45 = arith.maximumf %add3A_42, %max3A_44 : vector<512x1024xf32>
    %swap3A = arith.constant 0 : index
    %swap3A_46 = arith.constant 0 : index
    %swap3A_47 = vector.load %arg9[%swap3A, %swap3A_46] : memref<512x1024xf32, #tpu.memory_space<vmem>>, vector<512x1024xf32>
    tpu.vector_store %arg9[%swap3A, %swap3A_46], %max3A_45 {strides = array<i32>} : memref<512x1024xf32, #tpu.memory_space<vmem>>, vector<512x1024xf32>,
    return
  }
  func.func @transform_0(%arg0: i32, %arg1: memref<4xi32, #tpu.memory_space<smem>>) -> (i32, i32) {
    %get3A = arith.constant 0 : index
    %get3A_0 = memref.load %arg1[%get3A] : memref<4xi32, #tpu.memory_space<smem>>
    %add3A = arith.constant 512 : i32
    %add3A_1 = arith.addi %get3A_0, %add3A : i32
    %sub3A = arith.constant 1 : i32
    %sub3A_2 = arith.subi %add3A_1, %sub3A : i32
    %jit3A = arith.constant 512 : i32
    %div3A = arith.divsi %sub3A_2, %jit3A : i32
    %sign3A = arith.constant 0 : i32
    %sign3A_3 = arith.cmpi sgt, %sub3A_2, %sign3A : i32
    %sign3A_4 = arith.extui %sign3A_3 : i1 to i32
    %sign3A_5 = arith.constant 0 : i32
    %sign3A_6 = arith.cmpi slt, %sub3A_2, %sign3A_5 : i32
    %sign3A_7 = arith.extui %sign3A_6 : i1 to i32
    %sign3A_8 = arith.subi %sign3A_4, %sign3A_7 : i32
    %sign3A_9 = arith.constant 0 : i32
    %sign3A_10 = arith.cmpi sgt, %jit3A, %sign3A_9 : i32
    %sign3A_11 = arith.extui %sign3A_10 : i1 to i32
    %sign3A_12 = arith.constant 0 : i32
    %sign3A_13 = arith.cmpi slt, %jit3A, %sign3A_12 : i32
    %sign3A_14 = arith.extui %sign3A_13 : i1 to i32
    %sign3A_15 = arith.subi %sign3A_11, %sign3A_14 : i32
    %ne3A = arith.cmpi ne, %sign3A_8, %sign3A_15 : i32
    %rem3A = arith.remsi %sub3A_2, %jit3A : i32
    %ne3A_16 = arith.constant 0 : i32
    %ne3A_17 = arith.cmpi ne, %rem3A, %ne3A_16 : i32
    %and3A = arith.andi %ne3A, %ne3A_17 : i1
    %sub3A_18 = arith.constant 1 : i32
    %sub3A_19 = arith.subi %div3A, %sub3A_18 : i32
    %select_n3A = arith.select %and3A, %sub3A_19, %div3A : i32
    %get3A_20 = arith.constant 1 : index
    %get3A_21 = memref.load %arg1[%get3A_20] : memref<4xi32, #tpu.memory_space<smem>>
    %add3A_22 = arith.constant 512 : i32
    %add3A_23 = arith.addi %get3A_21, %add3A_22 : i32
    %sub3A_24 = arith.constant 1 : i32
    %sub3A_25 = arith.subi %add3A_23, %sub3A_24 : i32
    %jit3A_26 = arith.constant 512 : i32
    %div3A_27 = arith.divsi %sub3A_25, %jit3A_26 : i32
    %sign3A_28 = arith.constant 0 : i32
    %sign3A_29 = arith.cmpi sgt, %sub3A_25, %sign3A_28 : i32
    %sign3A_30 = arith.extui %sign3A_29 : i1 to i32
    %sign3A_31 = arith.constant 0 : i32
    %sign3A_32 = arith.cmpi slt, %sub3A_25, %sign3A_31 : i32
    %sign3A_33 = arith.extui %sign3A_32 : i1 to i32
    %sign3A_34 = arith.subi %sign3A_30, %sign3A_33 : i32
    %sign3A_35 = arith.constant 0 : i32
    %sign3A_36 = arith.cmpi sgt, %jit3A_26, %sign3A_35 : i32
    %sign3A_37 = arith.extui %sign3A_36 : i1 to i32
    %sign3A_38 = arith.constant 0 : i32
    %sign3A_39 = arith.cmpi slt, %jit3A_26, %sign3A_38 : i32
    %sign3A_40 = arith.extui %sign3A_39 : i1 to i32
    %sign3A_41 = arith.subi %sign3A_37, %sign3A_40 : i32
    %ne3A_42 = arith.cmpi ne, %sign3A_34, %sign3A_41 : i32
    %rem3A_43 = arith.remsi %sub3A_25, %jit3A_26 : i32
    %ne3A_44 = arith.constant 0 : i32
    %ne3A_45 = arith.cmpi ne, %rem3A_43, %ne3A_44 : i32
    %and3A_46 = arith.andi %ne3A_42, %ne3A_45 : i1
    %sub3A_47 = arith.constant 1 : i32
    %sub3A_48 = arith.subi %div3A_27, %sub3A_47 : i32
    %select_n3A_49 = arith.select %and3A_46, %sub3A_48, %div3A_27 : i32
    %get3A_50 = arith.constant 2 : index
    %get3A_51 = memref.load %arg1[%get3A_50] : memref<4xi32, #tpu.memory_space<smem>>
    %add3A_52 = arith.constant 512 : i32
    %add3A_53 = arith.addi %get3A_51, %add3A_52 : i32
    %sub3A_54 = arith.constant 1 : i32
    %sub3A_55 = arith.subi %add3A_53, %sub3A_54 : i32
    %jit3A_56 = arith.constant 512 : i32
    %div3A_57 = arith.divsi %sub3A_55, %jit3A_56 : i32
    %sign3A_58 = arith.constant 0 : i32
    %sign3A_59 = arith.cmpi sgt, %sub3A_55, %sign3A_58 : i32
    %sign3A_60 = arith.extui %sign3A_59 : i1 to i32
    %sign3A_61 = arith.constant 0 : i32
    %sign3A_62 = arith.cmpi slt, %sub3A_55, %sign3A_61 : i32
    %sign3A_63 = arith.extui %sign3A_62 : i1 to i32
    %sign3A_64 = arith.subi %sign3A_60, %sign3A_63 : i32
    %sign3A_65 = arith.constant 0 : i32
    %sign3A_66 = arith.cmpi sgt, %jit3A_56, %sign3A_65 : i32
    %sign3A_67 = arith.extui %sign3A_66 : i1 to i32
    %sign3A_68 = arith.constant 0 : i32
    %sign3A_69 = arith.cmpi slt, %jit3A_56, %sign3A_68 : i32
    %sign3A_70 = arith.extui %sign3A_69 : i1 to i32
    %sign3A_71 = arith.subi %sign3A_67, %sign3A_70 : i32
    %ne3A_72 = arith.cmpi ne, %sign3A_64, %sign3A_71 : i32
    %rem3A_73 = arith.remsi %sub3A_55, %jit3A_56 : i32
    %ne3A_74 = arith.constant 0 : i32
    %ne3A_75 = arith.cmpi ne, %rem3A_73, %ne3A_74 : i32
    %and3A_76 = arith.andi %ne3A_72, %ne3A_75 : i1
    %sub3A_77 = arith.constant 1 : i32
    %sub3A_78 = arith.subi %div3A_57, %sub3A_77 : i32
    %select_n3A_79 = arith.select %and3A_76, %sub3A_78, %div3A_57 : i32
    %get3A_80 = arith.constant 3 : index
    %get3A_81 = memref.load %arg1[%get3A_80] : memref<4xi32, #tpu.memory_space<smem>>
    %add3A_82 = arith.constant 512 : i32
    %add3A_83 = arith.addi %get3A_81, %add3A_82 : i32
    %sub3A_84 = arith.constant 1 : i32
    %sub3A_85 = arith.subi %add3A_83, %sub3A_84 : i32
    %jit3A_86 = arith.constant 512 : i32
    %div3A_87 = arith.divsi %sub3A_85, %jit3A_86 : i32
    %sign3A_88 = arith.constant 0 : i32
    %sign3A_89 = arith.cmpi sgt, %sub3A_85, %sign3A_88 : i32
    %sign3A_90 = arith.extui %sign3A_89 : i1 to i32
    %sign3A_91 = arith.constant 0 : i32
    %sign3A_92 = arith.cmpi slt, %sub3A_85, %sign3A_91 : i32
    %sign3A_93 = arith.extui %sign3A_92 : i1 to i32
    %sign3A_94 = arith.subi %sign3A_90, %sign3A_93 : i32
    %sign3A_95 = arith.constant 0 : i32
    %sign3A_96 = arith.cmpi sgt, %jit3A_86, %sign3A_95 : i32
    %sign3A_97 = arith.extui %sign3A_96 : i1 to i32
    %sign3A_98 = arith.constant 0 : i32
    %sign3A_99 = arith.cmpi slt, %jit3A_86, %sign3A_98 : i32
    %sign3A_100 = arith.extui %sign3A_99 : i1 to i32
    %sign3A_101 = arith.subi %sign3A_97, %sign3A_100 : i32
    %ne3A_102 = arith.cmpi ne, %sign3A_94, %sign3A_101 : i32
    %rem3A_103 = arith.remsi %sub3A_85, %jit3A_86 : i32
    %ne3A_104 = arith.constant 0 : i32
    %ne3A_105 = arith.cmpi ne, %rem3A_103, %ne3A_104 : i32
    %and3A_106 = arith.andi %ne3A_102, %ne3A_105 : i1
    %sub3A_107 = arith.constant 1 : i32
    %sub3A_108 = arith.subi %div3A_87, %sub3A_107 : i32
    %select_n3A_109 = arith.select %and3A_106, %sub3A_108, %div3A_87 : i32
    %add3A_110 = arith.addi %select_n3A, %select_n3A_49 : i32
    %add3A_111 = arith.addi %add3A_110, %select_n3A_79 : i32
    %add3A_112 = arith.addi %add3A_111, %select_n3A_109 : i32
    %sub3A_113 = arith.constant 1 : i32
    %sub3A_114 = arith.subi %add3A_112, %sub3A_113 : i32
    %min3A = arith.minsi %arg0, %sub3A_114 : i32
    %ge3A = arith.cmpi sge, %min3A, %select_n3A : i32
    %convert_element_type3A = arith.extui %ge3A : i1 to i32
    %ge3A_115 = arith.cmpi sge, %min3A, %add3A_110 : i32
    %convert_element_type3A_116 = arith.extui %ge3A_115 : i1 to i32
    %add3A_117 = arith.addi %convert_element_type3A, %convert_element_type3A_116 : i32
    %ge3A_118 = arith.cmpi sge, %min3A, %add3A_111 : i32
    %convert_element_type3A_119 = arith.extui %ge3A_118 : i1 to i32
    %add3A_120 = arith.addi %add3A_117, %convert_element_type3A_119 : i32
    %eq3A = arith.constant 1 : i32
    %eq3A_121 = arith.cmpi eq, %add3A_120, %eq3A : i32
    %jit3A_122 = arith.constant 0 : i32
    %select_n3A_123 = arith.select %eq3A_121, %select_n3A, %jit3A_122 : i32
    %eq3A_124 = arith.constant 2 : i32
    %eq3A_125 = arith.cmpi eq, %add3A_120, %eq3A_124 : i32
    %jit3A_126 = arith.constant 0 : i32
    %select_n3A_127 = arith.select %eq3A_125, %add3A_110, %jit3A_126 : i32
    %add3A_128 = arith.addi %select_n3A_123, %select_n3A_127 : i32
    %eq3A_129 = arith.constant 3 : i32
    %eq3A_130 = arith.cmpi eq, %add3A_120, %eq3A_129 : i32
    %jit3A_131 = arith.constant 0 : i32
    %select_n3A_132 = arith.select %eq3A_130, %add3A_111, %jit3A_131 : i32
    %add3A_133 = arith.addi %add3A_128, %select_n3A_132 : i32
    %sub3A_134 = arith.subi %min3A, %add3A_133 : i32
    %mul3A = arith.constant 8 : i32
    %mul3A_135 = arith.muli %add3A_120, %mul3A : i32
    %add3A_136 = arith.addi %mul3A_135, %sub3A_134 : i32
    %c0_i32 = arith.constant 0 : i32
    %c0_i32_137 = arith.constant 0 : i32
    return %add3A_136, %c0_i32 : i32, i32
  }
  func.func @transform_1(%arg0: i32, %arg1: memref<4xi32, #tpu.memory_space<smem>>) -> (i32, i32, i32) {
    %get3A = arith.constant 0 : index
    %get3A_0 = memref.load %arg1[%get3A] : memref<4xi32, #tpu.memory_space<smem>>
    %add3A = arith.constant 512 : i32
    %add3A_1 = arith.addi %get3A_0, %add3A : i32
    %sub3A = arith.constant 1 : i32
    %sub3A_2 = arith.subi %add3A_1, %sub3A : i32
    %jit3A = arith.constant 512 : i32
    %div3A = arith.divsi %sub3A_2, %jit3A : i32
    %sign3A = arith.constant 0 : i32
    %sign3A_3 = arith.cmpi sgt, %sub3A_2, %sign3A : i32
    %sign3A_4 = arith.extui %sign3A_3 : i1 to i32
    %sign3A_5 = arith.constant 0 : i32
    %sign3A_6 = arith.cmpi slt, %sub3A_2, %sign3A_5 : i32
    %sign3A_7 = arith.extui %sign3A_6 : i1 to i32
    %sign3A_8 = arith.subi %sign3A_4, %sign3A_7 : i32
    %sign3A_9 = arith.constant 0 : i32
    %sign3A_10 = arith.cmpi sgt, %jit3A, %sign3A_9 : i32
    %sign3A_11 = arith.extui %sign3A_10 : i1 to i32
    %sign3A_12 = arith.constant 0 : i32
    %sign3A_13 = arith.cmpi slt, %jit3A, %sign3A_12 : i32
    %sign3A_14 = arith.extui %sign3A_13 : i1 to i32
    %sign3A_15 = arith.subi %sign3A_11, %sign3A_14 : i32
    %ne3A = arith.cmpi ne, %sign3A_8, %sign3A_15 : i32
    %rem3A = arith.remsi %sub3A_2, %jit3A : i32
    %ne3A_16 = arith.constant 0 : i32
    %ne3A_17 = arith.cmpi ne, %rem3A, %ne3A_16 : i32
    %and3A = arith.andi %ne3A, %ne3A_17 : i1
    %sub3A_18 = arith.constant 1 : i32
    %sub3A_19 = arith.subi %div3A, %sub3A_18 : i32
    %select_n3A = arith.select %and3A, %sub3A_19, %div3A : i32
    %get3A_20 = arith.constant 1 : index
    %get3A_21 = memref.load %arg1[%get3A_20] : memref<4xi32, #tpu.memory_space<smem>>
    %add3A_22 = arith.constant 512 : i32
    %add3A_23 = arith.addi %get3A_21, %add3A_22 : i32
    %sub3A_24 = arith.constant 1 : i32
    %sub3A_25 = arith.subi %add3A_23, %sub3A_24 : i32
    %jit3A_26 = arith.constant 512 : i32
    %div3A_27 = arith.divsi %sub3A_25, %jit3A_26 : i32
    %sign3A_28 = arith.constant 0 : i32
    %sign3A_29 = arith.cmpi sgt, %sub3A_25, %sign3A_28 : i32
    %sign3A_30 = arith.extui %sign3A_29 : i1 to i32
    %sign3A_31 = arith.constant 0 : i32
    %sign3A_32 = arith.cmpi slt, %sub3A_25, %sign3A_31 : i32
    %sign3A_33 = arith.extui %sign3A_32 : i1 to i32
    %sign3A_34 = arith.subi %sign3A_30, %sign3A_33 : i32
    %sign3A_35 = arith.constant 0 : i32
    %sign3A_36 = arith.cmpi sgt, %jit3A_26, %sign3A_35 : i32
    %sign3A_37 = arith.extui %sign3A_36 : i1 to i32
    %sign3A_38 = arith.constant 0 : i32
    %sign3A_39 = arith.cmpi slt, %jit3A_26, %sign3A_38 : i32
    %sign3A_40 = arith.extui %sign3A_39 : i1 to i32
    %sign3A_41 = arith.subi %sign3A_37, %sign3A_40 : i32
    %ne3A_42 = arith.cmpi ne, %sign3A_34, %sign3A_41 : i32
    %rem3A_43 = arith.remsi %sub3A_25, %jit3A_26 : i32
    %ne3A_44 = arith.constant 0 : i32
    %ne3A_45 = arith.cmpi ne, %rem3A_43, %ne3A_44 : i32
    %and3A_46 = arith.andi %ne3A_42, %ne3A_45 : i1
    %sub3A_47 = arith.constant 1 : i32
    %sub3A_48 = arith.subi %div3A_27, %sub3A_47 : i32
    %select_n3A_49 = arith.select %and3A_46, %sub3A_48, %div3A_27 : i32
    %get3A_50 = arith.constant 2 : index
    %get3A_51 = memref.load %arg1[%get3A_50] : memref<4xi32, #tpu.memory_space<smem>>
    %add3A_52 = arith.constant 512 : i32
    %add3A_53 = arith.addi %get3A_51, %add3A_52 : i32
    %sub3A_54 = arith.constant 1 : i32
    %sub3A_55 = arith.subi %add3A_53, %sub3A_54 : i32
    %jit3A_56 = arith.constant 512 : i32
    %div3A_57 = arith.divsi %sub3A_55, %jit3A_56 : i32
    %sign3A_58 = arith.constant 0 : i32
    %sign3A_59 = arith.cmpi sgt, %sub3A_55, %sign3A_58 : i32
    %sign3A_60 = arith.extui %sign3A_59 : i1 to i32
    %sign3A_61 = arith.constant 0 : i32
    %sign3A_62 = arith.cmpi slt, %sub3A_55, %sign3A_61 : i32
    %sign3A_63 = arith.extui %sign3A_62 : i1 to i32
    %sign3A_64 = arith.subi %sign3A_60, %sign3A_63 : i32
    %sign3A_65 = arith.constant 0 : i32
    %sign3A_66 = arith.cmpi sgt, %jit3A_56, %sign3A_65 : i32
    %sign3A_67 = arith.extui %sign3A_66 : i1 to i32
    %sign3A_68 = arith.constant 0 : i32
    %sign3A_69 = arith.cmpi slt, %jit3A_56, %sign3A_68 : i32
    %sign3A_70 = arith.extui %sign3A_69 : i1 to i32
    %sign3A_71 = arith.subi %sign3A_67, %sign3A_70 : i32
    %ne3A_72 = arith.cmpi ne, %sign3A_64, %sign3A_71 : i32
    %rem3A_73 = arith.remsi %sub3A_55, %jit3A_56 : i32
    %ne3A_74 = arith.constant 0 : i32
    %ne3A_75 = arith.cmpi ne, %rem3A_73, %ne3A_74 : i32
    %and3A_76 = arith.andi %ne3A_72, %ne3A_75 : i1
    %sub3A_77 = arith.constant 1 : i32
    %sub3A_78 = arith.subi %div3A_57, %sub3A_77 : i32
    %select_n3A_79 = arith.select %and3A_76, %sub3A_78, %div3A_57 : i32
    %get3A_80 = arith.constant 3 : index
    %get3A_81 = memref.load %arg1[%get3A_80] : memref<4xi32, #tpu.memory_space<smem>>
    %add3A_82 = arith.constant 512 : i32
    %add3A_83 = arith.addi %get3A_81, %add3A_82 : i32
    %sub3A_84 = arith.constant 1 : i32
    %sub3A_85 = arith.subi %add3A_83, %sub3A_84 : i32
    %jit3A_86 = arith.constant 512 : i32
    %div3A_87 = arith.divsi %sub3A_85, %jit3A_86 : i32
    %sign3A_88 = arith.constant 0 : i32
    %sign3A_89 = arith.cmpi sgt, %sub3A_85, %sign3A_88 : i32
    %sign3A_90 = arith.extui %sign3A_89 : i1 to i32
    %sign3A_91 = arith.constant 0 : i32
    %sign3A_92 = arith.cmpi slt, %sub3A_85, %sign3A_91 : i32
    %sign3A_93 = arith.extui %sign3A_92 : i1 to i32
    %sign3A_94 = arith.subi %sign3A_90, %sign3A_93 : i32
    %sign3A_95 = arith.constant 0 : i32
    %sign3A_96 = arith.cmpi sgt, %jit3A_86, %sign3A_95 : i32
    %sign3A_97 = arith.extui %sign3A_96 : i1 to i32
    %sign3A_98 = arith.constant 0 : i32
    %sign3A_99 = arith.cmpi slt, %jit3A_86, %sign3A_98 : i32
    %sign3A_100 = arith.extui %sign3A_99 : i1 to i32
    %sign3A_101 = arith.subi %sign3A_97, %sign3A_100 : i32
    %ne3A_102 = arith.cmpi ne, %sign3A_94, %sign3A_101 : i32
    %rem3A_103 = arith.remsi %sub3A_85, %jit3A_86 : i32
    %ne3A_104 = arith.constant 0 : i32
    %ne3A_105 = arith.cmpi ne, %rem3A_103, %ne3A_104 : i32
    %and3A_106 = arith.andi %ne3A_102, %ne3A_105 : i1
    %sub3A_107 = arith.constant 1 : i32
    %sub3A_108 = arith.subi %div3A_87, %sub3A_107 : i32
    %select_n3A_109 = arith.select %and3A_106, %sub3A_108, %div3A_87 : i32
    %add3A_110 = arith.addi %select_n3A, %select_n3A_49 : i32
    %add3A_111 = arith.addi %add3A_110, %select_n3A_79 : i32
    %add3A_112 = arith.addi %add3A_111, %select_n3A_109 : i32
    %sub3A_113 = arith.constant 1 : i32
    %sub3A_114 = arith.subi %add3A_112, %sub3A_113 : i32
    %min3A = arith.minsi %arg0, %sub3A_114 : i32
    %ge3A = arith.cmpi sge, %min3A, %select_n3A : i32
    %convert_element_type3A = arith.extui %ge3A : i1 to i32
    %ge3A_115 = arith.cmpi sge, %min3A, %add3A_110 : i32
    %convert_element_type3A_116 = arith.extui %ge3A_115 : i1 to i32
    %add3A_117 = arith.addi %convert_element_type3A, %convert_element_type3A_116 : i32
    %ge3A_118 = arith.cmpi sge, %min3A, %add3A_111 : i32
    %convert_element_type3A_119 = arith.extui %ge3A_118 : i1 to i32
    %add3A_120 = arith.addi %add3A_117, %convert_element_type3A_119 : i32
    %eq3A = arith.constant 1 : i32
    %eq3A_121 = arith.cmpi eq, %add3A_120, %eq3A : i32
    %jit3A_122 = arith.constant 0 : i32
    %select_n3A_123 = arith.select %eq3A_121, %select_n3A, %jit3A_122 : i32
    %eq3A_124 = arith.constant 2 : i32
    %eq3A_125 = arith.cmpi eq, %add3A_120, %eq3A_124 : i32
    %jit3A_126 = arith.constant 0 : i32
    %select_n3A_127 = arith.select %eq3A_125, %add3A_110, %jit3A_126 : i32
    %add3A_128 = arith.addi %select_n3A_123, %select_n3A_127 : i32
    %eq3A_129 = arith.constant 3 : i32
    %eq3A_130 = arith.cmpi eq, %add3A_120, %eq3A_129 : i32
    %jit3A_131 = arith.constant 0 : i32
    %select_n3A_132 = arith.select %eq3A_130, %add3A_111, %jit3A_131 : i32
    %add3A_133 = arith.addi %add3A_128, %select_n3A_132 : i32
    %sub3A_134 = arith.subi %min3A, %add3A_133 : i32
    %c0_i32 = arith.constant 0 : i32
    %c0_i32_135 = arith.constant 0 : i32
    %c0_i32_136 = arith.constant 0 : i32
    return %add3A_120, %c0_i32, %c0_i32_135 : i32, i32, i32
  }
  func.func @transform_2(%arg0: i32, %arg1: memref<4xi32, #tpu.memory_space<smem>>) -> (i32, i32, i32) {
    %get3A = arith.constant 0 : index
    %get3A_0 = memref.load %arg1[%get3A] : memref<4xi32, #tpu.memory_space<smem>>
    %add3A = arith.constant 512 : i32
    %add3A_1 = arith.addi %get3A_0, %add3A : i32
    %sub3A = arith.constant 1 : i32
    %sub3A_2 = arith.subi %add3A_1, %sub3A : i32
    %jit3A = arith.constant 512 : i32
    %div3A = arith.divsi %sub3A_2, %jit3A : i32
    %sign3A = arith.constant 0 : i32
    %sign3A_3 = arith.cmpi sgt, %sub3A_2, %sign3A : i32
    %sign3A_4 = arith.extui %sign3A_3 : i1 to i32
    %sign3A_5 = arith.constant 0 : i32
    %sign3A_6 = arith.cmpi slt, %sub3A_2, %sign3A_5 : i32
    %sign3A_7 = arith.extui %sign3A_6 : i1 to i32
    %sign3A_8 = arith.subi %sign3A_4, %sign3A_7 : i32
    %sign3A_9 = arith.constant 0 : i32
    %sign3A_10 = arith.cmpi sgt, %jit3A, %sign3A_9 : i32
    %sign3A_11 = arith.extui %sign3A_10 : i1 to i32
    %sign3A_12 = arith.constant 0 : i32
    %sign3A_13 = arith.cmpi slt, %jit3A, %sign3A_12 : i32
    %sign3A_14 = arith.extui %sign3A_13 : i1 to i32
    %sign3A_15 = arith.subi %sign3A_11, %sign3A_14 : i32
    %ne3A = arith.cmpi ne, %sign3A_8, %sign3A_15 : i32
    %rem3A = arith.remsi %sub3A_2, %jit3A : i32
    %ne3A_16 = arith.constant 0 : i32
    %ne3A_17 = arith.cmpi ne, %rem3A, %ne3A_16 : i32
    %and3A = arith.andi %ne3A, %ne3A_17 : i1
    %sub3A_18 = arith.constant 1 : i32
    %sub3A_19 = arith.subi %div3A, %sub3A_18 : i32
    %select_n3A = arith.select %and3A, %sub3A_19, %div3A : i32
    %get3A_20 = arith.constant 1 : index
    %get3A_21 = memref.load %arg1[%get3A_20] : memref<4xi32, #tpu.memory_space<smem>>
    %add3A_22 = arith.constant 512 : i32
    %add3A_23 = arith.addi %get3A_21, %add3A_22 : i32
    %sub3A_24 = arith.constant 1 : i32
    %sub3A_25 = arith.subi %add3A_23, %sub3A_24 : i32
    %jit3A_26 = arith.constant 512 : i32
    %div3A_27 = arith.divsi %sub3A_25, %jit3A_26 : i32
    %sign3A_28 = arith.constant 0 : i32
    %sign3A_29 = arith.cmpi sgt, %sub3A_25, %sign3A_28 : i32
    %sign3A_30 = arith.extui %sign3A_29 : i1 to i32
    %sign3A_31 = arith.constant 0 : i32
    %sign3A_32 = arith.cmpi slt, %sub3A_25, %sign3A_31 : i32
    %sign3A_33 = arith.extui %sign3A_32 : i1 to i32
    %sign3A_34 = arith.subi %sign3A_30, %sign3A_33 : i32
    %sign3A_35 = arith.constant 0 : i32
    %sign3A_36 = arith.cmpi sgt, %jit3A_26, %sign3A_35 : i32
    %sign3A_37 = arith.extui %sign3A_36 : i1 to i32
    %sign3A_38 = arith.constant 0 : i32
    %sign3A_39 = arith.cmpi slt, %jit3A_26, %sign3A_38 : i32
    %sign3A_40 = arith.extui %sign3A_39 : i1 to i32
    %sign3A_41 = arith.subi %sign3A_37, %sign3A_40 : i32
    %ne3A_42 = arith.cmpi ne, %sign3A_34, %sign3A_41 : i32
    %rem3A_43 = arith.remsi %sub3A_25, %jit3A_26 : i32
    %ne3A_44 = arith.constant 0 : i32
    %ne3A_45 = arith.cmpi ne, %rem3A_43, %ne3A_44 : i32
    %and3A_46 = arith.andi %ne3A_42, %ne3A_45 : i1
    %sub3A_47 = arith.constant 1 : i32
    %sub3A_48 = arith.subi %div3A_27, %sub3A_47 : i32
    %select_n3A_49 = arith.select %and3A_46, %sub3A_48, %div3A_27 : i32
    %get3A_50 = arith.constant 2 : index
    %get3A_51 = memref.load %arg1[%get3A_50] : memref<4xi32, #tpu.memory_space<smem>>
    %add3A_52 = arith.constant 512 : i32
    %add3A_53 = arith.addi %get3A_51, %add3A_52 : i32
    %sub3A_54 = arith.constant 1 : i32
    %sub3A_55 = arith.subi %add3A_53, %sub3A_54 : i32
    %jit3A_56 = arith.constant 512 : i32
    %div3A_57 = arith.divsi %sub3A_55, %jit3A_56 : i32
    %sign3A_58 = arith.constant 0 : i32
    %sign3A_59 = arith.cmpi sgt, %sub3A_55, %sign3A_58 : i32
    %sign3A_60 = arith.extui %sign3A_59 : i1 to i32
    %sign3A_61 = arith.constant 0 : i32
    %sign3A_62 = arith.cmpi slt, %sub3A_55, %sign3A_61 : i32
    %sign3A_63 = arith.extui %sign3A_62 : i1 to i32
    %sign3A_64 = arith.subi %sign3A_60, %sign3A_63 : i32
    %sign3A_65 = arith.constant 0 : i32
    %sign3A_66 = arith.cmpi sgt, %jit3A_56, %sign3A_65 : i32
    %sign3A_67 = arith.extui %sign3A_66 : i1 to i32
    %sign3A_68 = arith.constant 0 : i32
    %sign3A_69 = arith.cmpi slt, %jit3A_56, %sign3A_68 : i32
    %sign3A_70 = arith.extui %sign3A_69 : i1 to i32
    %sign3A_71 = arith.subi %sign3A_67, %sign3A_70 : i32
    %ne3A_72 = arith.cmpi ne, %sign3A_64, %sign3A_71 : i32
    %rem3A_73 = arith.remsi %sub3A_55, %jit3A_56 : i32
    %ne3A_74 = arith.constant 0 : i32
    %ne3A_75 = arith.cmpi ne, %rem3A_73, %ne3A_74 : i32
    %and3A_76 = arith.andi %ne3A_72, %ne3A_75 : i1
    %sub3A_77 = arith.constant 1 : i32
    %sub3A_78 = arith.subi %div3A_57, %sub3A_77 : i32
    %select_n3A_79 = arith.select %and3A_76, %sub3A_78, %div3A_57 : i32
    %get3A_80 = arith.constant 3 : index
    %get3A_81 = memref.load %arg1[%get3A_80] : memref<4xi32, #tpu.memory_space<smem>>
    %add3A_82 = arith.constant 512 : i32
    %add3A_83 = arith.addi %get3A_81, %add3A_82 : i32
    %sub3A_84 = arith.constant 1 : i32
    %sub3A_85 = arith.subi %add3A_83, %sub3A_84 : i32
    %jit3A_86 = arith.constant 512 : i32
    %div3A_87 = arith.divsi %sub3A_85, %jit3A_86 : i32
    %sign3A_88 = arith.constant 0 : i32
    %sign3A_89 = arith.cmpi sgt, %sub3A_85, %sign3A_88 : i32
    %sign3A_90 = arith.extui %sign3A_89 : i1 to i32
    %sign3A_91 = arith.constant 0 : i32
    %sign3A_92 = arith.cmpi slt, %sub3A_85, %sign3A_91 : i32
    %sign3A_93 = arith.extui %sign3A_92 : i1 to i32
    %sign3A_94 = arith.subi %sign3A_90, %sign3A_93 : i32
    %sign3A_95 = arith.constant 0 : i32
    %sign3A_96 = arith.cmpi sgt, %jit3A_86, %sign3A_95 : i32
    %sign3A_97 = arith.extui %sign3A_96 : i1 to i32
    %sign3A_98 = arith.constant 0 : i32
    %sign3A_99 = arith.cmpi slt, %jit3A_86, %sign3A_98 : i32
    %sign3A_100 = arith.extui %sign3A_99 : i1 to i32
    %sign3A_101 = arith.subi %sign3A_97, %sign3A_100 : i32
    %ne3A_102 = arith.cmpi ne, %sign3A_94, %sign3A_101 : i32
    %rem3A_103 = arith.remsi %sub3A_85, %jit3A_86 : i32
    %ne3A_104 = arith.constant 0 : i32
    %ne3A_105 = arith.cmpi ne, %rem3A_103, %ne3A_104 : i32
    %and3A_106 = arith.andi %ne3A_102, %ne3A_105 : i1
    %sub3A_107 = arith.constant 1 : i32
    %sub3A_108 = arith.subi %div3A_87, %sub3A_107 : i32
    %select_n3A_109 = arith.select %and3A_106, %sub3A_108, %div3A_87 : i32
    %add3A_110 = arith.addi %select_n3A, %select_n3A_49 : i32
    %add3A_111 = arith.addi %add3A_110, %select_n3A_79 : i32
    %add3A_112 = arith.addi %add3A_111, %select_n3A_109 : i32
    %sub3A_113 = arith.constant 1 : i32
    %sub3A_114 = arith.subi %add3A_112, %sub3A_113 : i32
    %min3A = arith.minsi %arg0, %sub3A_114 : i32
    %ge3A = arith.cmpi sge, %min3A, %select_n3A : i32
    %convert_element_type3A = arith.extui %ge3A : i1 to i32
    %ge3A_115 = arith.cmpi sge, %min3A, %add3A_110 : i32
    %convert_element_type3A_116 = arith.extui %ge3A_115 : i1 to i32
    %add3A_117 = arith.addi %convert_element_type3A, %convert_element_type3A_116 : i32
    %ge3A_118 = arith.cmpi sge, %min3A, %add3A_111 : i32
    %convert_element_type3A_119 = arith.extui %ge3A_118 : i1 to i32
    %add3A_120 = arith.addi %add3A_117, %convert_element_type3A_119 : i32
    %eq3A = arith.constant 1 : i32
    %eq3A_121 = arith.cmpi eq, %add3A_120, %eq3A : i32
    %jit3A_122 = arith.constant 0 : i32
    %select_n3A_123 = arith.select %eq3A_121, %select_n3A, %jit3A_122 : i32
    %eq3A_124 = arith.constant 2 : i32
    %eq3A_125 = arith.cmpi eq, %add3A_120, %eq3A_124 : i32
    %jit3A_126 = arith.constant 0 : i32
    %select_n3A_127 = arith.select %eq3A_125, %add3A_110, %jit3A_126 : i32
    %add3A_128 = arith.addi %select_n3A_123, %select_n3A_127 : i32
    %eq3A_129 = arith.constant 3 : i32
    %eq3A_130 = arith.cmpi eq, %add3A_120, %eq3A_129 : i32
    %jit3A_131 = arith.constant 0 : i32
    %select_n3A_132 = arith.select %eq3A_130, %add3A_111, %jit3A_131 : i32
    %add3A_133 = arith.addi %add3A_128, %select_n3A_132 : i32
    %sub3A_134 = arith.subi %min3A, %add3A_133 : i32
    %c0_i32 = arith.constant 0 : i32
    %c0_i32_135 = arith.constant 0 : i32
    %c0_i32_136 = arith.constant 0 : i32
    return %add3A_120, %c0_i32, %c0_i32_135 : i32, i32, i32
  }
  func.func @transform_3(%arg0: i32, %arg1: memref<4xi32, #tpu.memory_space<smem>>) -> (i32, i32, i32) {
    %get3A = arith.constant 0 : index
    %get3A_0 = memref.load %arg1[%get3A] : memref<4xi32, #tpu.memory_space<smem>>
    %add3A = arith.constant 512 : i32
    %add3A_1 = arith.addi %get3A_0, %add3A : i32
    %sub3A = arith.constant 1 : i32
    %sub3A_2 = arith.subi %add3A_1, %sub3A : i32
    %jit3A = arith.constant 512 : i32
    %div3A = arith.divsi %sub3A_2, %jit3A : i32
    %sign3A = arith.constant 0 : i32
    %sign3A_3 = arith.cmpi sgt, %sub3A_2, %sign3A : i32
    %sign3A_4 = arith.extui %sign3A_3 : i1 to i32
    %sign3A_5 = arith.constant 0 : i32
    %sign3A_6 = arith.cmpi slt, %sub3A_2, %sign3A_5 : i32
    %sign3A_7 = arith.extui %sign3A_6 : i1 to i32
    %sign3A_8 = arith.subi %sign3A_4, %sign3A_7 : i32
    %sign3A_9 = arith.constant 0 : i32
    %sign3A_10 = arith.cmpi sgt, %jit3A, %sign3A_9 : i32
    %sign3A_11 = arith.extui %sign3A_10 : i1 to i32
    %sign3A_12 = arith.constant 0 : i32
    %sign3A_13 = arith.cmpi slt, %jit3A, %sign3A_12 : i32
    %sign3A_14 = arith.extui %sign3A_13 : i1 to i32
    %sign3A_15 = arith.subi %sign3A_11, %sign3A_14 : i32
    %ne3A = arith.cmpi ne, %sign3A_8, %sign3A_15 : i32
    %rem3A = arith.remsi %sub3A_2, %jit3A : i32
    %ne3A_16 = arith.constant 0 : i32
    %ne3A_17 = arith.cmpi ne, %rem3A, %ne3A_16 : i32
    %and3A = arith.andi %ne3A, %ne3A_17 : i1
    %sub3A_18 = arith.constant 1 : i32
    %sub3A_19 = arith.subi %div3A, %sub3A_18 : i32
    %select_n3A = arith.select %and3A, %sub3A_19, %div3A : i32
    %get3A_20 = arith.constant 1 : index
    %get3A_21 = memref.load %arg1[%get3A_20] : memref<4xi32, #tpu.memory_space<smem>>
    %add3A_22 = arith.constant 512 : i32
    %add3A_23 = arith.addi %get3A_21, %add3A_22 : i32
    %sub3A_24 = arith.constant 1 : i32
    %sub3A_25 = arith.subi %add3A_23, %sub3A_24 : i32
    %jit3A_26 = arith.constant 512 : i32
    %div3A_27 = arith.divsi %sub3A_25, %jit3A_26 : i32
    %sign3A_28 = arith.constant 0 : i32
    %sign3A_29 = arith.cmpi sgt, %sub3A_25, %sign3A_28 : i32
    %sign3A_30 = arith.extui %sign3A_29 : i1 to i32
    %sign3A_31 = arith.constant 0 : i32
    %sign3A_32 = arith.cmpi slt, %sub3A_25, %sign3A_31 : i32
    %sign3A_33 = arith.extui %sign3A_32 : i1 to i32
    %sign3A_34 = arith.subi %sign3A_30, %sign3A_33 : i32
    %sign3A_35 = arith.constant 0 : i32
    %sign3A_36 = arith.cmpi sgt, %jit3A_26, %sign3A_35 : i32
    %sign3A_37 = arith.extui %sign3A_36 : i1 to i32
    %sign3A_38 = arith.constant 0 : i32
    %sign3A_39 = arith.cmpi slt, %jit3A_26, %sign3A_38 : i32
    %sign3A_40 = arith.extui %sign3A_39 : i1 to i32
    %sign3A_41 = arith.subi %sign3A_37, %sign3A_40 : i32
    %ne3A_42 = arith.cmpi ne, %sign3A_34, %sign3A_41 : i32
    %rem3A_43 = arith.remsi %sub3A_25, %jit3A_26 : i32
    %ne3A_44 = arith.constant 0 : i32
    %ne3A_45 = arith.cmpi ne, %rem3A_43, %ne3A_44 : i32
    %and3A_46 = arith.andi %ne3A_42, %ne3A_45 : i1
    %sub3A_47 = arith.constant 1 : i32
    %sub3A_48 = arith.subi %div3A_27, %sub3A_47 : i32
    %select_n3A_49 = arith.select %and3A_46, %sub3A_48, %div3A_27 : i32
    %get3A_50 = arith.constant 2 : index
    %get3A_51 = memref.load %arg1[%get3A_50] : memref<4xi32, #tpu.memory_space<smem>>
    %add3A_52 = arith.constant 512 : i32
    %add3A_53 = arith.addi %get3A_51, %add3A_52 : i32
    %sub3A_54 = arith.constant 1 : i32
    %sub3A_55 = arith.subi %add3A_53, %sub3A_54 : i32
    %jit3A_56 = arith.constant 512 : i32
    %div3A_57 = arith.divsi %sub3A_55, %jit3A_56 : i32
    %sign3A_58 = arith.constant 0 : i32
    %sign3A_59 = arith.cmpi sgt, %sub3A_55, %sign3A_58 : i32
    %sign3A_60 = arith.extui %sign3A_59 : i1 to i32
    %sign3A_61 = arith.constant 0 : i32
    %sign3A_62 = arith.cmpi slt, %sub3A_55, %sign3A_61 : i32
    %sign3A_63 = arith.extui %sign3A_62 : i1 to i32
    %sign3A_64 = arith.subi %sign3A_60, %sign3A_63 : i32
    %sign3A_65 = arith.constant 0 : i32
    %sign3A_66 = arith.cmpi sgt, %jit3A_56, %sign3A_65 : i32
    %sign3A_67 = arith.extui %sign3A_66 : i1 to i32
    %sign3A_68 = arith.constant 0 : i32
    %sign3A_69 = arith.cmpi slt, %jit3A_56, %sign3A_68 : i32
    %sign3A_70 = arith.extui %sign3A_69 : i1 to i32
    %sign3A_71 = arith.subi %sign3A_67, %sign3A_70 : i32
    %ne3A_72 = arith.cmpi ne, %sign3A_64, %sign3A_71 : i32
    %rem3A_73 = arith.remsi %sub3A_55, %jit3A_56 : i32
    %ne3A_74 = arith.constant 0 : i32
    %ne3A_75 = arith.cmpi ne, %rem3A_73, %ne3A_74 : i32
    %and3A_76 = arith.andi %ne3A_72, %ne3A_75 : i1
    %sub3A_77 = arith.constant 1 : i32
    %sub3A_78 = arith.subi %div3A_57, %sub3A_77 : i32
    %select_n3A_79 = arith.select %and3A_76, %sub3A_78, %div3A_57 : i32
    %get3A_80 = arith.constant 3 : index
    %get3A_81 = memref.load %arg1[%get3A_80] : memref<4xi32, #tpu.memory_space<smem>>
    %add3A_82 = arith.constant 512 : i32
    %add3A_83 = arith.addi %get3A_81, %add3A_82 : i32
    %sub3A_84 = arith.constant 1 : i32
    %sub3A_85 = arith.subi %add3A_83, %sub3A_84 : i32
    %jit3A_86 = arith.constant 512 : i32
    %div3A_87 = arith.divsi %sub3A_85, %jit3A_86 : i32
    %sign3A_88 = arith.constant 0 : i32
    %sign3A_89 = arith.cmpi sgt, %sub3A_85, %sign3A_88 : i32
    %sign3A_90 = arith.extui %sign3A_89 : i1 to i32
    %sign3A_91 = arith.constant 0 : i32
    %sign3A_92 = arith.cmpi slt, %sub3A_85, %sign3A_91 : i32
    %sign3A_93 = arith.extui %sign3A_92 : i1 to i32
    %sign3A_94 = arith.subi %sign3A_90, %sign3A_93 : i32
    %sign3A_95 = arith.constant 0 : i32
    %sign3A_96 = arith.cmpi sgt, %jit3A_86, %sign3A_95 : i32
    %sign3A_97 = arith.extui %sign3A_96 : i1 to i32
    %sign3A_98 = arith.constant 0 : i32
    %sign3A_99 = arith.cmpi slt, %jit3A_86, %sign3A_98 : i32
    %sign3A_100 = arith.extui %sign3A_99 : i1 to i32
    %sign3A_101 = arith.subi %sign3A_97, %sign3A_100 : i32
    %ne3A_102 = arith.cmpi ne, %sign3A_94, %sign3A_101 : i32
    %rem3A_103 = arith.remsi %sub3A_85, %jit3A_86 : i32
    %ne3A_104 = arith.constant 0 : i32
    %ne3A_105 = arith.cmpi ne, %rem3A_103, %ne3A_104 : i32
    %and3A_106 = arith.andi %ne3A_102, %ne3A_105 : i1
    %sub3A_107 = arith.constant 1 : i32
    %sub3A_108 = arith.subi %div3A_87, %sub3A_107 : i32
    %select_n3A_109 = arith.select %and3A_106, %sub3A_108, %div3A_87 : i32
    %add3A_110 = arith.addi %select_n3A, %select_n3A_49 : i32
    %add3A_111 = arith.addi %add3A_110, %select_n3A_79 : i32
    %add3A_112 = arith.addi %add3A_111, %select_n3A_109 : i32
    %sub3A_113 = arith.constant 1 : i32
    %sub3A_114 = arith.subi %add3A_112, %sub3A_113 : i32
    %min3A = arith.minsi %arg0, %sub3A_114 : i32
    %ge3A = arith.cmpi sge, %min3A, %select_n3A : i32
    %convert_element_type3A = arith.extui %ge3A : i1 to i32
    %ge3A_115 = arith.cmpi sge, %min3A, %add3A_110 : i32
    %convert_element_type3A_116 = arith.extui %ge3A_115 : i1 to i32
    %add3A_117 = arith.addi %convert_element_type3A, %convert_element_type3A_116 : i32
    %ge3A_118 = arith.cmpi sge, %min3A, %add3A_111 : i32
    %convert_element_type3A_119 = arith.extui %ge3A_118 : i1 to i32
    %add3A_120 = arith.addi %add3A_117, %convert_element_type3A_119 : i32
    %eq3A = arith.constant 1 : i32
    %eq3A_121 = arith.cmpi eq, %add3A_120, %eq3A : i32
    %jit3A_122 = arith.constant 0 : i32
    %select_n3A_123 = arith.select %eq3A_121, %select_n3A, %jit3A_122 : i32
    %eq3A_124 = arith.constant 2 : i32
    %eq3A_125 = arith.cmpi eq, %add3A_120, %eq3A_124 : i32
    %jit3A_126 = arith.constant 0 : i32
    %select_n3A_127 = arith.select %eq3A_125, %add3A_110, %jit3A_126 : i32
    %add3A_128 = arith.addi %select_n3A_123, %select_n3A_127 : i32
    %eq3A_129 = arith.constant 3 : i32
    %eq3A_130 = arith.cmpi eq, %add3A_120, %eq3A_129 : i32
    %jit3A_131 = arith.constant 0 : i32
    %select_n3A_132 = arith.select %eq3A_130, %add3A_111, %jit3A_131 : i32
    %add3A_133 = arith.addi %add3A_128, %select_n3A_132 : i32
    %sub3A_134 = arith.subi %min3A, %add3A_133 : i32
    %jit3A_135 = arith.constant 2 : i32
    %div3A_136 = arith.divsi %add3A_120, %jit3A_135 : i32
    %sign3A_137 = arith.constant 0 : i32
    %sign3A_138 = arith.cmpi sgt, %add3A_120, %sign3A_137 : i32
    %sign3A_139 = arith.extui %sign3A_138 : i1 to i32
    %sign3A_140 = arith.constant 0 : i32
    %sign3A_141 = arith.cmpi slt, %add3A_120, %sign3A_140 : i32
    %sign3A_142 = arith.extui %sign3A_141 : i1 to i32
    %sign3A_143 = arith.subi %sign3A_139, %sign3A_142 : i32
    %sign3A_144 = arith.constant 0 : i32
    %sign3A_145 = arith.cmpi sgt, %jit3A_135, %sign3A_144 : i32
    %sign3A_146 = arith.extui %sign3A_145 : i1 to i32
    %sign3A_147 = arith.constant 0 : i32
    %sign3A_148 = arith.cmpi slt, %jit3A_135, %sign3A_147 : i32
    %sign3A_149 = arith.extui %sign3A_148 : i1 to i32
    %sign3A_150 = arith.subi %sign3A_146, %sign3A_149 : i32
    %ne3A_151 = arith.cmpi ne, %sign3A_143, %sign3A_150 : i32
    %rem3A_152 = arith.remsi %add3A_120, %jit3A_135 : i32
    %ne3A_153 = arith.constant 0 : i32
    %ne3A_154 = arith.cmpi ne, %rem3A_152, %ne3A_153 : i32
    %and3A_155 = arith.andi %ne3A_151, %ne3A_154 : i1
    %sub3A_156 = arith.constant 1 : i32
    %sub3A_157 = arith.subi %div3A_136, %sub3A_156 : i32
    %select_n3A_158 = arith.select %and3A_155, %sub3A_157, %div3A_136 : i32
    %c0_i32 = arith.constant 0 : i32
    %c0_i32_159 = arith.constant 0 : i32
    %c0_i32_160 = arith.constant 0 : i32
    return %select_n3A_158, %c0_i32, %c0_i32_159 : i32, i32, i32
  }
  func.func @transform_4(%arg0: i32, %arg1: memref<4xi32, #tpu.memory_space<smem>>) -> (i32, i32, i32) {
    %get3A = arith.constant 0 : index
    %get3A_0 = memref.load %arg1[%get3A] : memref<4xi32, #tpu.memory_space<smem>>
    %add3A = arith.constant 512 : i32
    %add3A_1 = arith.addi %get3A_0, %add3A : i32
    %sub3A = arith.constant 1 : i32
    %sub3A_2 = arith.subi %add3A_1, %sub3A : i32
    %jit3A = arith.constant 512 : i32
    %div3A = arith.divsi %sub3A_2, %jit3A : i32
    %sign3A = arith.constant 0 : i32
    %sign3A_3 = arith.cmpi sgt, %sub3A_2, %sign3A : i32
    %sign3A_4 = arith.extui %sign3A_3 : i1 to i32
    %sign3A_5 = arith.constant 0 : i32
    %sign3A_6 = arith.cmpi slt, %sub3A_2, %sign3A_5 : i32
    %sign3A_7 = arith.extui %sign3A_6 : i1 to i32
    %sign3A_8 = arith.subi %sign3A_4, %sign3A_7 : i32
    %sign3A_9 = arith.constant 0 : i32
    %sign3A_10 = arith.cmpi sgt, %jit3A, %sign3A_9 : i32
    %sign3A_11 = arith.extui %sign3A_10 : i1 to i32
    %sign3A_12 = arith.constant 0 : i32
    %sign3A_13 = arith.cmpi slt, %jit3A, %sign3A_12 : i32
    %sign3A_14 = arith.extui %sign3A_13 : i1 to i32
    %sign3A_15 = arith.subi %sign3A_11, %sign3A_14 : i32
    %ne3A = arith.cmpi ne, %sign3A_8, %sign3A_15 : i32
    %rem3A = arith.remsi %sub3A_2, %jit3A : i32
    %ne3A_16 = arith.constant 0 : i32
    %ne3A_17 = arith.cmpi ne, %rem3A, %ne3A_16 : i32
    %and3A = arith.andi %ne3A, %ne3A_17 : i1
    %sub3A_18 = arith.constant 1 : i32
    %sub3A_19 = arith.subi %div3A, %sub3A_18 : i32
    %select_n3A = arith.select %and3A, %sub3A_19, %div3A : i32
    %get3A_20 = arith.constant 1 : index
    %get3A_21 = memref.load %arg1[%get3A_20] : memref<4xi32, #tpu.memory_space<smem>>
    %add3A_22 = arith.constant 512 : i32
    %add3A_23 = arith.addi %get3A_21, %add3A_22 : i32
    %sub3A_24 = arith.constant 1 : i32
    %sub3A_25 = arith.subi %add3A_23, %sub3A_24 : i32
    %jit3A_26 = arith.constant 512 : i32
    %div3A_27 = arith.divsi %sub3A_25, %jit3A_26 : i32
    %sign3A_28 = arith.constant 0 : i32
    %sign3A_29 = arith.cmpi sgt, %sub3A_25, %sign3A_28 : i32
    %sign3A_30 = arith.extui %sign3A_29 : i1 to i32
    %sign3A_31 = arith.constant 0 : i32
    %sign3A_32 = arith.cmpi slt, %sub3A_25, %sign3A_31 : i32
    %sign3A_33 = arith.extui %sign3A_32 : i1 to i32
    %sign3A_34 = arith.subi %sign3A_30, %sign3A_33 : i32
    %sign3A_35 = arith.constant 0 : i32
    %sign3A_36 = arith.cmpi sgt, %jit3A_26, %sign3A_35 : i32
    %sign3A_37 = arith.extui %sign3A_36 : i1 to i32
    %sign3A_38 = arith.constant 0 : i32
    %sign3A_39 = arith.cmpi slt, %jit3A_26, %sign3A_38 : i32
    %sign3A_40 = arith.extui %sign3A_39 : i1 to i32
    %sign3A_41 = arith.subi %sign3A_37, %sign3A_40 : i32
    %ne3A_42 = arith.cmpi ne, %sign3A_34, %sign3A_41 : i32
    %rem3A_43 = arith.remsi %sub3A_25, %jit3A_26 : i32
    %ne3A_44 = arith.constant 0 : i32
    %ne3A_45 = arith.cmpi ne, %rem3A_43, %ne3A_44 : i32
    %and3A_46 = arith.andi %ne3A_42, %ne3A_45 : i1
    %sub3A_47 = arith.constant 1 : i32
    %sub3A_48 = arith.subi %div3A_27, %sub3A_47 : i32
    %select_n3A_49 = arith.select %and3A_46, %sub3A_48, %div3A_27 : i32
    %get3A_50 = arith.constant 2 : index
    %get3A_51 = memref.load %arg1[%get3A_50] : memref<4xi32, #tpu.memory_space<smem>>
    %add3A_52 = arith.constant 512 : i32
    %add3A_53 = arith.addi %get3A_51, %add3A_52 : i32
    %sub3A_54 = arith.constant 1 : i32
    %sub3A_55 = arith.subi %add3A_53, %sub3A_54 : i32
    %jit3A_56 = arith.constant 512 : i32
    %div3A_57 = arith.divsi %sub3A_55, %jit3A_56 : i32
    %sign3A_58 = arith.constant 0 : i32
    %sign3A_59 = arith.cmpi sgt, %sub3A_55, %sign3A_58 : i32
    %sign3A_60 = arith.extui %sign3A_59 : i1 to i32
    %sign3A_61 = arith.constant 0 : i32
    %sign3A_62 = arith.cmpi slt, %sub3A_55, %sign3A_61 : i32
    %sign3A_63 = arith.extui %sign3A_62 : i1 to i32
    %sign3A_64 = arith.subi %sign3A_60, %sign3A_63 : i32
    %sign3A_65 = arith.constant 0 : i32
    %sign3A_66 = arith.cmpi sgt, %jit3A_56, %sign3A_65 : i32
    %sign3A_67 = arith.extui %sign3A_66 : i1 to i32
    %sign3A_68 = arith.constant 0 : i32
    %sign3A_69 = arith.cmpi slt, %jit3A_56, %sign3A_68 : i32
    %sign3A_70 = arith.extui %sign3A_69 : i1 to i32
    %sign3A_71 = arith.subi %sign3A_67, %sign3A_70 : i32
    %ne3A_72 = arith.cmpi ne, %sign3A_64, %sign3A_71 : i32
    %rem3A_73 = arith.remsi %sub3A_55, %jit3A_56 : i32
    %ne3A_74 = arith.constant 0 : i32
    %ne3A_75 = arith.cmpi ne, %rem3A_73, %ne3A_74 : i32
    %and3A_76 = arith.andi %ne3A_72, %ne3A_75 : i1
    %sub3A_77 = arith.constant 1 : i32
    %sub3A_78 = arith.subi %div3A_57, %sub3A_77 : i32
    %select_n3A_79 = arith.select %and3A_76, %sub3A_78, %div3A_57 : i32
    %get3A_80 = arith.constant 3 : index
    %get3A_81 = memref.load %arg1[%get3A_80] : memref<4xi32, #tpu.memory_space<smem>>
    %add3A_82 = arith.constant 512 : i32
    %add3A_83 = arith.addi %get3A_81, %add3A_82 : i32
    %sub3A_84 = arith.constant 1 : i32
    %sub3A_85 = arith.subi %add3A_83, %sub3A_84 : i32
    %jit3A_86 = arith.constant 512 : i32
    %div3A_87 = arith.divsi %sub3A_85, %jit3A_86 : i32
    %sign3A_88 = arith.constant 0 : i32
    %sign3A_89 = arith.cmpi sgt, %sub3A_85, %sign3A_88 : i32
    %sign3A_90 = arith.extui %sign3A_89 : i1 to i32
    %sign3A_91 = arith.constant 0 : i32
    %sign3A_92 = arith.cmpi slt, %sub3A_85, %sign3A_91 : i32
    %sign3A_93 = arith.extui %sign3A_92 : i1 to i32
    %sign3A_94 = arith.subi %sign3A_90, %sign3A_93 : i32
    %sign3A_95 = arith.constant 0 : i32
    %sign3A_96 = arith.cmpi sgt, %jit3A_86, %sign3A_95 : i32
    %sign3A_97 = arith.extui %sign3A_96 : i1 to i32
    %sign3A_98 = arith.constant 0 : i32
    %sign3A_99 = arith.cmpi slt, %jit3A_86, %sign3A_98 : i32
    %sign3A_100 = arith.extui %sign3A_99 : i1 to i32
    %sign3A_101 = arith.subi %sign3A_97, %sign3A_100 : i32
    %ne3A_102 = arith.cmpi ne, %sign3A_94, %sign3A_101 : i32
    %rem3A_103 = arith.remsi %sub3A_85, %jit3A_86 : i32
    %ne3A_104 = arith.constant 0 : i32
    %ne3A_105 = arith.cmpi ne, %rem3A_103, %ne3A_104 : i32
    %and3A_106 = arith.andi %ne3A_102, %ne3A_105 : i1
    %sub3A_107 = arith.constant 1 : i32
    %sub3A_108 = arith.subi %div3A_87, %sub3A_107 : i32
    %select_n3A_109 = arith.select %and3A_106, %sub3A_108, %div3A_87 : i32
    %add3A_110 = arith.addi %select_n3A, %select_n3A_49 : i32
    %add3A_111 = arith.addi %add3A_110, %select_n3A_79 : i32
    %add3A_112 = arith.addi %add3A_111, %select_n3A_109 : i32
    %sub3A_113 = arith.constant 1 : i32
    %sub3A_114 = arith.subi %add3A_112, %sub3A_113 : i32
    %min3A = arith.minsi %arg0, %sub3A_114 : i32
    %ge3A = arith.cmpi sge, %min3A, %select_n3A : i32
    %convert_element_type3A = arith.extui %ge3A : i1 to i32
    %ge3A_115 = arith.cmpi sge, %min3A, %add3A_110 : i32
    %convert_element_type3A_116 = arith.extui %ge3A_115 : i1 to i32
    %add3A_117 = arith.addi %convert_element_type3A, %convert_element_type3A_116 : i32
    %ge3A_118 = arith.cmpi sge, %min3A, %add3A_111 : i32
    %convert_element_type3A_119 = arith.extui %ge3A_118 : i1 to i32
    %add3A_120 = arith.addi %add3A_117, %convert_element_type3A_119 : i32
    %eq3A = arith.constant 1 : i32
    %eq3A_121 = arith.cmpi eq, %add3A_120, %eq3A : i32
    %jit3A_122 = arith.constant 0 : i32
    %select_n3A_123 = arith.select %eq3A_121, %select_n3A, %jit3A_122 : i32
    %eq3A_124 = arith.constant 2 : i32
    %eq3A_125 = arith.cmpi eq, %add3A_120, %eq3A_124 : i32
    %jit3A_126 = arith.constant 0 : i32
    %select_n3A_127 = arith.select %eq3A_125, %add3A_110, %jit3A_126 : i32
    %add3A_128 = arith.addi %select_n3A_123, %select_n3A_127 : i32
    %eq3A_129 = arith.constant 3 : i32
    %eq3A_130 = arith.cmpi eq, %add3A_120, %eq3A_129 : i32
    %jit3A_131 = arith.constant 0 : i32
    %select_n3A_132 = arith.select %eq3A_130, %add3A_111, %jit3A_131 : i32
    %add3A_133 = arith.addi %add3A_128, %select_n3A_132 : i32
    %sub3A_134 = arith.subi %min3A, %add3A_133 : i32
    %jit3A_135 = arith.constant 2 : i32
    %div3A_136 = arith.divsi %add3A_120, %jit3A_135 : i32
    %sign3A_137 = arith.constant 0 : i32
    %sign3A_138 = arith.cmpi sgt, %add3A_120, %sign3A_137 : i32
    %sign3A_139 = arith.extui %sign3A_138 : i1 to i32
    %sign3A_140 = arith.constant 0 : i32
    %sign3A_141 = arith.cmpi slt, %add3A_120, %sign3A_140 : i32
    %sign3A_142 = arith.extui %sign3A_141 : i1 to i32
    %sign3A_143 = arith.subi %sign3A_139, %sign3A_142 : i32
    %sign3A_144 = arith.constant 0 : i32
    %sign3A_145 = arith.cmpi sgt, %jit3A_135, %sign3A_144 : i32
    %sign3A_146 = arith.extui %sign3A_145 : i1 to i32
    %sign3A_147 = arith.constant 0 : i32
    %sign3A_148 = arith.cmpi slt, %jit3A_135, %sign3A_147 : i32
    %sign3A_149 = arith.extui %sign3A_148 : i1 to i32
    %sign3A_150 = arith.subi %sign3A_146, %sign3A_149 : i32
    %ne3A_151 = arith.cmpi ne, %sign3A_143, %sign3A_150 : i32
    %rem3A_152 = arith.remsi %add3A_120, %jit3A_135 : i32
    %ne3A_153 = arith.constant 0 : i32
    %ne3A_154 = arith.cmpi ne, %rem3A_152, %ne3A_153 : i32
    %and3A_155 = arith.andi %ne3A_151, %ne3A_154 : i1
    %sub3A_156 = arith.constant 1 : i32
    %sub3A_157 = arith.subi %div3A_136, %sub3A_156 : i32
    %select_n3A_158 = arith.select %and3A_155, %sub3A_157, %div3A_136 : i32
    %c0_i32 = arith.constant 0 : i32
    %c0_i32_159 = arith.constant 0 : i32
    %c0_i32_160 = arith.constant 0 : i32
    return %select_n3A_158, %c0_i32, %c0_i32_159 : i32, i32, i32
  }
  func.func @transform_5(%arg0: i32, %arg1: memref<4xi32, #tpu.memory_space<smem>>) -> (i32, i32) {
    %c0_i32 = arith.constant 0 : i32
    %c0_i32_0 = arith.constant 0 : i32
    %c0_i32_1 = arith.constant 0 : i32
    return %c0_i32, %c0_i32_0 : i32, i32
  }
  func.func @transform_6(%arg0: i32, %arg1: memref<4xi32, #tpu.memory_space<smem>>) -> (i32, i32) {
    %c0_i32 = arith.constant 0 : i32
    %c0_i32_0 = arith.constant 0 : i32
    %c0_i32_1 = arith.constant 0 : i32
    return %c0_i32, %c0_i32_0 : i32, i32
  }
  func.func @transform_7(%arg0: i32, %arg1: memref<4xi32, #tpu.memory_space<smem>>) -> (i32, i32) {
    %get3A = arith.constant 0 : index
    %get3A_0 = memref.load %arg1[%get3A] : memref<4xi32, #tpu.memory_space<smem>>
    %add3A = arith.constant 512 : i32
    %add3A_1 = arith.addi %get3A_0, %add3A : i32
    %sub3A = arith.constant 1 : i32
    %sub3A_2 = arith.subi %add3A_1, %sub3A : i32
    %jit3A = arith.constant 512 : i32
    %div3A = arith.divsi %sub3A_2, %jit3A : i32
    %sign3A = arith.constant 0 : i32
    %sign3A_3 = arith.cmpi sgt, %sub3A_2, %sign3A : i32
    %sign3A_4 = arith.extui %sign3A_3 : i1 to i32
    %sign3A_5 = arith.constant 0 : i32
    %sign3A_6 = arith.cmpi slt, %sub3A_2, %sign3A_5 : i32
    %sign3A_7 = arith.extui %sign3A_6 : i1 to i32
    %sign3A_8 = arith.subi %sign3A_4, %sign3A_7 : i32
    %sign3A_9 = arith.constant 0 : i32
    %sign3A_10 = arith.cmpi sgt, %jit3A, %sign3A_9 : i32
    %sign3A_11 = arith.extui %sign3A_10 : i1 to i32
    %sign3A_12 = arith.constant 0 : i32
    %sign3A_13 = arith.cmpi slt, %jit3A, %sign3A_12 : i32
    %sign3A_14 = arith.extui %sign3A_13 : i1 to i32
    %sign3A_15 = arith.subi %sign3A_11, %sign3A_14 : i32
    %ne3A = arith.cmpi ne, %sign3A_8, %sign3A_15 : i32
    %rem3A = arith.remsi %sub3A_2, %jit3A : i32
    %ne3A_16 = arith.constant 0 : i32
    %ne3A_17 = arith.cmpi ne, %rem3A, %ne3A_16 : i32
    %and3A = arith.andi %ne3A, %ne3A_17 : i1
    %sub3A_18 = arith.constant 1 : i32
    %sub3A_19 = arith.subi %div3A, %sub3A_18 : i32
    %select_n3A = arith.select %and3A, %sub3A_19, %div3A : i32
    %get3A_20 = arith.constant 1 : index
    %get3A_21 = memref.load %arg1[%get3A_20] : memref<4xi32, #tpu.memory_space<smem>>
    %add3A_22 = arith.constant 512 : i32
    %add3A_23 = arith.addi %get3A_21, %add3A_22 : i32
    %sub3A_24 = arith.constant 1 : i32
    %sub3A_25 = arith.subi %add3A_23, %sub3A_24 : i32
    %jit3A_26 = arith.constant 512 : i32
    %div3A_27 = arith.divsi %sub3A_25, %jit3A_26 : i32
    %sign3A_28 = arith.constant 0 : i32
    %sign3A_29 = arith.cmpi sgt, %sub3A_25, %sign3A_28 : i32
    %sign3A_30 = arith.extui %sign3A_29 : i1 to i32
    %sign3A_31 = arith.constant 0 : i32
    %sign3A_32 = arith.cmpi slt, %sub3A_25, %sign3A_31 : i32
    %sign3A_33 = arith.extui %sign3A_32 : i1 to i32
    %sign3A_34 = arith.subi %sign3A_30, %sign3A_33 : i32
    %sign3A_35 = arith.constant 0 : i32
    %sign3A_36 = arith.cmpi sgt, %jit3A_26, %sign3A_35 : i32
    %sign3A_37 = arith.extui %sign3A_36 : i1 to i32
    %sign3A_38 = arith.constant 0 : i32
    %sign3A_39 = arith.cmpi slt, %jit3A_26, %sign3A_38 : i32
    %sign3A_40 = arith.extui %sign3A_39 : i1 to i32
    %sign3A_41 = arith.subi %sign3A_37, %sign3A_40 : i32
    %ne3A_42 = arith.cmpi ne, %sign3A_34, %sign3A_41 : i32
    %rem3A_43 = arith.remsi %sub3A_25, %jit3A_26 : i32
    %ne3A_44 = arith.constant 0 : i32
    %ne3A_45 = arith.cmpi ne, %rem3A_43, %ne3A_44 : i32
    %and3A_46 = arith.andi %ne3A_42, %ne3A_45 : i1
    %sub3A_47 = arith.constant 1 : i32
    %sub3A_48 = arith.subi %div3A_27, %sub3A_47 : i32
    %select_n3A_49 = arith.select %and3A_46, %sub3A_48, %div3A_27 : i32
    %get3A_50 = arith.constant 2 : index
    %get3A_51 = memref.load %arg1[%get3A_50] : memref<4xi32, #tpu.memory_space<smem>>
    %add3A_52 = arith.constant 512 : i32
    %add3A_53 = arith.addi %get3A_51, %add3A_52 : i32
    %sub3A_54 = arith.constant 1 : i32
    %sub3A_55 = arith.subi %add3A_53, %sub3A_54 : i32
    %jit3A_56 = arith.constant 512 : i32
    %div3A_57 = arith.divsi %sub3A_55, %jit3A_56 : i32
    %sign3A_58 = arith.constant 0 : i32
    %sign3A_59 = arith.cmpi sgt, %sub3A_55, %sign3A_58 : i32
    %sign3A_60 = arith.extui %sign3A_59 : i1 to i32
    %sign3A_61 = arith.constant 0 : i32
    %sign3A_62 = arith.cmpi slt, %sub3A_55, %sign3A_61 : i32
    %sign3A_63 = arith.extui %sign3A_62 : i1 to i32
    %sign3A_64 = arith.subi %sign3A_60, %sign3A_63 : i32
    %sign3A_65 = arith.constant 0 : i32
    %sign3A_66 = arith.cmpi sgt, %jit3A_56, %sign3A_65 : i32
    %sign3A_67 = arith.extui %sign3A_66 : i1 to i32
    %sign3A_68 = arith.constant 0 : i32
    %sign3A_69 = arith.cmpi slt, %jit3A_56, %sign3A_68 : i32
    %sign3A_70 = arith.extui %sign3A_69 : i1 to i32
    %sign3A_71 = arith.subi %sign3A_67, %sign3A_70 : i32
    %ne3A_72 = arith.cmpi ne, %sign3A_64, %sign3A_71 : i32
    %rem3A_73 = arith.remsi %sub3A_55, %jit3A_56 : i32
    %ne3A_74 = arith.constant 0 : i32
    %ne3A_75 = arith.cmpi ne, %rem3A_73, %ne3A_74 : i32
    %and3A_76 = arith.andi %ne3A_72, %ne3A_75 : i1
    %sub3A_77 = arith.constant 1 : i32
    %sub3A_78 = arith.subi %div3A_57, %sub3A_77 : i32
    %select_n3A_79 = arith.select %and3A_76, %sub3A_78, %div3A_57 : i32
    %get3A_80 = arith.constant 3 : index
    %get3A_81 = memref.load %arg1[%get3A_80] : memref<4xi32, #tpu.memory_space<smem>>
    %add3A_82 = arith.constant 512 : i32
    %add3A_83 = arith.addi %get3A_81, %add3A_82 : i32
    %sub3A_84 = arith.constant 1 : i32
    %sub3A_85 = arith.subi %add3A_83, %sub3A_84 : i32
    %jit3A_86 = arith.constant 512 : i32
    %div3A_87 = arith.divsi %sub3A_85, %jit3A_86 : i32
    %sign3A_88 = arith.constant 0 : i32
    %sign3A_89 = arith.cmpi sgt, %sub3A_85, %sign3A_88 : i32
    %sign3A_90 = arith.extui %sign3A_89 : i1 to i32
    %sign3A_91 = arith.constant 0 : i32
    %sign3A_92 = arith.cmpi slt, %sub3A_85, %sign3A_91 : i32
    %sign3A_93 = arith.extui %sign3A_92 : i1 to i32
    %sign3A_94 = arith.subi %sign3A_90, %sign3A_93 : i32
    %sign3A_95 = arith.constant 0 : i32
    %sign3A_96 = arith.cmpi sgt, %jit3A_86, %sign3A_95 : i32
    %sign3A_97 = arith.extui %sign3A_96 : i1 to i32
    %sign3A_98 = arith.constant 0 : i32
    %sign3A_99 = arith.cmpi slt, %jit3A_86, %sign3A_98 : i32
    %sign3A_100 = arith.extui %sign3A_99 : i1 to i32
    %sign3A_101 = arith.subi %sign3A_97, %sign3A_100 : i32
    %ne3A_102 = arith.cmpi ne, %sign3A_94, %sign3A_101 : i32
    %rem3A_103 = arith.remsi %sub3A_85, %jit3A_86 : i32
    %ne3A_104 = arith.constant 0 : i32
    %ne3A_105 = arith.cmpi ne, %rem3A_103, %ne3A_104 : i32
    %and3A_106 = arith.andi %ne3A_102, %ne3A_105 : i1
    %sub3A_107 = arith.constant 1 : i32
    %sub3A_108 = arith.subi %div3A_87, %sub3A_107 : i32
    %select_n3A_109 = arith.select %and3A_106, %sub3A_108, %div3A_87 : i32
    %add3A_110 = arith.addi %select_n3A, %select_n3A_49 : i32
    %add3A_111 = arith.addi %add3A_110, %select_n3A_79 : i32
    %add3A_112 = arith.addi %add3A_111, %select_n3A_109 : i32
    %sub3A_113 = arith.constant 1 : i32
    %sub3A_114 = arith.subi %add3A_112, %sub3A_113 : i32
    %min3A = arith.minsi %arg0, %sub3A_114 : i32
    %ge3A = arith.cmpi sge, %min3A, %select_n3A : i32
    %convert_element_type3A = arith.extui %ge3A : i1 to i32
    %ge3A_115 = arith.cmpi sge, %min3A, %add3A_110 : i32
    %convert_element_type3A_116 = arith.extui %ge3A_115 : i1 to i32
    %add3A_117 = arith.addi %convert_element_type3A, %convert_element_type3A_116 : i32
    %ge3A_118 = arith.cmpi sge, %min3A, %add3A_111 : i32
    %convert_element_type3A_119 = arith.extui %ge3A_118 : i1 to i32
    %add3A_120 = arith.addi %add3A_117, %convert_element_type3A_119 : i32
    %eq3A = arith.constant 1 : i32
    %eq3A_121 = arith.cmpi eq, %add3A_120, %eq3A : i32
    %jit3A_122 = arith.constant 0 : i32
    %select_n3A_123 = arith.select %eq3A_121, %select_n3A, %jit3A_122 : i32
    %eq3A_124 = arith.constant 2 : i32
    %eq3A_125 = arith.cmpi eq, %add3A_120, %eq3A_124 : i32
    %jit3A_126 = arith.constant 0 : i32
    %select_n3A_127 = arith.select %eq3A_125, %add3A_110, %jit3A_126 : i32
    %add3A_128 = arith.addi %select_n3A_123, %select_n3A_127 : i32
    %eq3A_129 = arith.constant 3 : i32
    %eq3A_130 = arith.cmpi eq, %add3A_120, %eq3A_129 : i32
    %jit3A_131 = arith.constant 0 : i32
    %select_n3A_132 = arith.select %eq3A_130, %add3A_111, %jit3A_131 : i32
    %add3A_133 = arith.addi %add3A_128, %select_n3A_132 : i32
    %sub3A_134 = arith.subi %min3A, %add3A_133 : i32
    %mul3A = arith.constant 8 : i32
    %mul3A_135 = arith.muli %add3A_120, %mul3A : i32
    %add3A_136 = arith.addi %mul3A_135, %sub3A_134 : i32
    %c0_i32 = arith.constant 0 : i32
    %c0_i32_137 = arith.constant 0 : i32
    return %add3A_136, %c0_i32 : i32, i32
  }
}

</mosaic_0001>

<sc_bundles>
// kernel: kernel.6.cloned.1.call-start
scs
__scs_entry_jumppad:
0x0: {  	(pc) =	sbr.rel $0x88, $3  }
0x1: {  	(tag) =	ssettag $0x0;
	lr =	simm.s32 $0x1  }
0x2: {  	[smem:$0x3F98] =	sst lr;
	_ =	strace $0xD0000000  }
0x3: {  	_ = 	snop  }
0x4: {  	_ = 	snop  }
0x5: {  	_ = 	snop  }
0x6: {  	_ = 	snop  }
0x7: {  	_ = 	snop  }
__scs_overlays_trampoline_lowered:
0x8: {  	[smem:$0x3FA7] =	sst s0  }
0x9: {  	[smem:$0x3FA8] =	sst s1  }
0xa: {  	[smem:$0x3FA9] =	sst s2  }
0xb: {  	[smem:$0x3FAA] =	sst s3  }
0xc: {  	[smem:$0x3FAB] =	sst s4  }
0xd: {  	[smem:$0x3FAC] =	sst s5  }
0xe: {  	[smem:$0x3FAD] =	sst s6  }
0xf: {  	[smem:$0x3FAE] =	sst s7  }
0x10: {  	[smem:$0x3FAF] =	sst s8  }
0x11: {  	[smem:$0x3FB0] =	sst s9;
	s0 =	simm.s32 @!p0 $0x0  }
0x12: {  	s1 =	sld [smem:$0x3F96];
	s0 =	simm.s32 @p0 $0x1  }
0x13: {  	[smem:$0x3FB1] =	sst s0;
	s0 =	simm.s32 @!p1 $0x0  }
0x14: {  	s2 =	sld [smem:$0x3F95];
	s0 =	simm.s32 @p1 $0x1  }
0x15: {  	[smem:$0x3FB2] =	sst s0;
	s0 =	simm.s32 @!p2 $0x0  }
0x16: {  	s3 =	sld [smem:$0x3FDB];
	s0 =	simm.s32 @p2 $0x1  }
0x17: {  	s4 =	simm.s32 $0x1BF5;
	[smem:$0x3FB4] =	sst s0  }
0x18: {  	s0 =	sld [smem:$0x3F97];
	_ =	swait.ge [sflag:s4], $0x0  }
0x19: {  	s7 =	sld [smem:$0x3F98]  }
0x1a: {  	s8 =	sadd.s32 $0xFFFFE003, lr  }
0x1b: {  	s9 =	sadd.s32 $0xFFFFFEF7, lr;
	s5 =	simm.s32 $0xFFFFFFFF;
	p2 =	slt.u32 s8, $0xFFFFF086  }
0x1c: {  	p1 =	slt.u32 s9, $0xF7A;
	s5 =	simm.s32 @!p2 $0x0  }
0x1d: {  	s5 =	simm.s32 @p1 $0x1;
	p0 =	seq.s32 s7, s2  }
0x1e: {  	s7 =	smul.u32 @!p0 $0xF7A, s2;
	p2 =	seq.s32 @!p0 s5, $0x0  }
0x1f: {  	s9 =	smul.u32 $0xF7A, s1;
	s8 =	simm.s32 @!p0 $0x1BF5;
	p2 =	por !p2, p0  }
0x20: {  	[sflag:s8] =	ssyncset.s32 @!p0 $0xFFFFF086;
	s6 =	sadd.s32 @!p0 s3, s7;
	s7 =	simm.s32 @!p0 $0x108  }
0x21: {  	s3 =	sadd.s32 s3, s9;
	s6 =	sadd.s32 @!p0 $0x88, s6;
	s7 =	simm.s32 @p2 $0x1082  }
0x22: {  	[simem:s7], [sflag:s8] =	dma.local @!p0 [hbm:s6], $0xF7A  }
0x23: {  	s9 =	sor.u32 $0xD0000000, s2;
	s6 =	simm.s32 $0x108;
	_ =	swait.ge @!p0 [sflag:s8], $0x0  }
0x24: {  	s3 =	sadd.s32 $0x88, s3;
	s6 =	simm.s32 @!p1 $0x1082;
	[sflag:s4] =	ssyncset.s32 $0xFFFFF086  }
0x25: {  	[simem:s6], [sflag:s4] =	dma.local [hbm:s3], $0xF7A  }
0x26: {  	[smem:$0x3F98] =	sst s1;
	(tag) =	ssettag s2;
	_ =	strace s9  }
0x27: {  	s1 =	sld [smem:$0x3FA8]  }
0x28: {  	s2 =	sld [smem:$0x3FA9]  }
0x29: {  	s4 =	sld [smem:$0x3FAB]  }
0x2a: {  	p0 =	seq.s32 s5, $0x0;
	s5 =	sld [smem:$0x3FAC]  }
0x2b: {  	s6 =	sld [smem:$0x3FAD]  }
0x2c: {  	s7 =	sld [smem:$0x3FAE]  }
0x2d: {  	s3 =	simm.s32 $0x108;
	s8 =	sld [smem:$0x3FAF]  }
0x2e: {  	s3 =	simm.s32 @!p0 $0x1082;
	s9 =	sld [smem:$0x3FB0]  }
0x2f: {  	lr =	sadd.s32 s0, s3;
	s0 =	sld [smem:$0x3FA7]  }
0x30: {  	s3 =	sld [smem:$0x3FAA]  }
0x31: {  	[smem:$0x3FB3] =	sst s10  }
0x32: {  	s10 =	sld [smem:$0x3FB1];
	_ =	sdelay $0x3  }
0x33: {  	p0 =	seq.s32 s10, $0x1;
	s10 =	sld [smem:$0x3FB3];
	_ =	sdelay $0x3  }
0x34: {  	[smem:$0x3FB3] =	sst s10  }
0x35: {  	s10 =	sld [smem:$0x3FB2];
	_ =	sdelay $0x3  }
0x36: {  	p1 =	seq.s32 s10, $0x1;
	s10 =	sld [smem:$0x3FB3];
	_ =	sdelay $0x3  }
0x37: {  	[smem:$0x3FB3] =	sst s10  }
0x38: {  	s10 =	sld [smem:$0x3FB4]  }
0x39: {  	_ = 	snop;
	(pc) =	sbr.ind lr, $3  }
0x3a: {  	_ = 	snop  }
0x3b: {  	_ = 	snop  }
0x3c: {  	p2 =	seq.s32 s10, $0x1;
	s10 =	sld [smem:$0x3FB3]  }
0x3d: {  	_ =	shalt  }
0x3e: {  	_ =	shalt  }
0x3f: {  	_ =	shalt  }
0x40: {  	_ =	shalt  }
0x41: {  	_ =	shalt  }
0x42: {  	_ =	shalt  }
0x43: {  	_ =	shalt  }
0x44: {  	_ =	shalt  }
0x45: {  	_ =	shalt  }
0x46: {  	_ =	shalt  }
0x47: {  	_ =	shalt  }
0x48: {  	_ =	shalt  }
0x49: {  	_ =	shalt  }
0x4a: {  	_ =	shalt  }
0x4b: {  	_ =	shalt  }
0x4c: {  	_ =	shalt  }
0x4d: {  	_ =	shalt  }
0x4e: {  	_ =	shalt  }
0x4f: {  	_ =	shalt  }
0x50: {  	_ =	shalt  }
0x51: {  	_ =	shalt  }
0x52: {  	_ =	shalt  }
0x53: {  	_ =	shalt  }
0x54: {  	_ =	shalt  }
0x55: {  	_ =	shalt  }
0x56: {  	_ =	shalt  }
0x57: {  	_ =	shalt  }
0x58: {  	_ =	shalt  }
0x59: {  	_ =	shalt  }
0x5a: {  	_ =	shalt  }
0x5b: {  	_ =	shalt  }
0x5c: {  	_ =	shalt  }
0x5d: {  	_ =	shalt  }
0x5e: {  	_ =	shalt  }
0x5f: {  	_ =	shalt  }
0x60: {  	_ =	shalt  }
0x61: {  	_ =	shalt  }
0x62: {  	_ =	shalt  }
0x63: {  	_ =	shalt  }
0x64: {  	_ =	shalt  }
0x65: {  	_ =	shalt  }
0x66: {  	_ =	shalt  }
0x67: {  	_ =	shalt  }
0x68: {  	_ =	shalt  }
0x69: {  	_ =	shalt  }
0x6a: {  	_ =	shalt  }
0x6b: {  	_ =	shalt  }
0x6c: {  	_ =	shalt  }
0x6d: {  	_ =	shalt  }
0x6e: {  	_ =	shalt  }
0x6f: {  	_ =	shalt  }
0x70: {  	_ =	shalt  }
0x71: {  	_ =	shalt  }
0x72: {  	_ =	shalt  }
0x73: {  	_ =	shalt  }
0x74: {  	_ =	shalt  }
0x75: {  	_ =	shalt  }
0x76: {  	_ =	shalt  }
0x77: {  	_ =	shalt  }
0x78: {  	_ =	shalt  }
0x79: {  	_ =	shalt  }
0x7a: {  	_ =	shalt  }
0x7b: {  	_ =	shalt  }
0x7c: {  	_ =	shalt  }
0x7d: {  	_ =	shalt  }
0x7e: {  	_ =	shalt  }
0x7f: {  	_ =	shalt  }
0x80: {  	_ =	shalt  }
0x81: {  	_ =	shalt  }
0x82: {  	_ =	shalt  }
0x83: {  	_ =	shalt  }
0x84: {  	_ =	shalt  }
0x85: {  	_ =	shalt  }
0x86: {  	_ =	shalt  }
0x87: {  	_ =	shalt  }
.Lfunc_end0:
.L_simem_size_0:
called_computation_lowered:
.L_overlay_start_0:
0x88: {  	s2 =	sld [smem:$0x3FD9]  }
0x89: {  	s3 =	sld [smem:$0x3FFE];
	_ =	sdelay $0x1  }
0x8a: {  	s1 =	srdreg.scid  }
0x8b: {  	s0 =	sand.u32 $0x1, s1  }
0x8c: {  	s17 =	sshll.u32 s0, $0xA;
	s2 =	sadd.s32 s3, s2  }
0x8d: {  	s2 =	sadd.s32 s2, s17  }
0x8e: {  	[smem:$0x3FBF] =	sst s2  }
0x8f: {  	_ = 	snop  }
0x90: {  	s2 =	sld [smem:$0x3FC9];
	(tm) =	ssettm $0x1  }
0x91: {  	s18 =	sld [smem:$0x3FFB];
	_ =	sdelay $0x3  }
0x92: {  	_ =	strace s18  }
0x93: {  	s3 =	sld [smem:$0x3FFC];
	_ =	sdelay $0x3  }
0x94: {  	_ =	strace s3  }
0x95: {  	s3 =	sld [smem:$0x3FFD];
	_ =	sdelay $0x3  }
0x96: {  	_ =	strace s3  }
0x97: {  	_ =	strace $0x8FFFFFFF  }
0x98: {  	s19 =	sld [smem:$0x3FDB];
	_ =	sdelay $0x1  }
0x99: {  	s4 =	simm.s32 $_scs_section_size  }
0x9a: {  	s5 =	simm.s32 $_size__tile_overlayer_lowered;
	s6 =	simm.s32 $_tile_overlayer_lowered  }
0x9b: {  	s22 =	simm.s32 $0x1BFF;
	s21 =	sshll.u32 s6, $0x1;
	s3 =	sadd.s32 s4, s19  }
0x9c: {  	s7 =	simm.s32 $0x0;
	s20 =	sshll.u32 s5, $0x1;
	s5 =	sadd.s32 s21, s3  }
0x9d: {  	[timem:s7], [sflag:s22] =	dma.local [hbm:s5], s20  }
0x9e: {  	_ =	swait.ge [sflag:s22], s20  }
0x9f: {  	s4 =	ssub.s32 $0x0, s20;
	[sflag:s22] =	ssyncset.done $0x0  }
0xa0: {  	[sflag:s22] =	ssyncadd.s32 s4;
	_ =	sdelay $0x1  }
0xa1: {  	s23 =	simm.s32 $0x1B8B  }
0xa2: {  	_ =	swait.ge [sflag:s23], $0x1  }
0xa3: {  	[sflag:s23] =	ssyncset.done $0x0  }
0xa4: {  	s25 =	simm.s32 $0x1B8E;
	s24 =	sld [smem:$0x3FFE];
	[sflag:s23] =	ssyncadd.s32 $0xFFFFFFFF  }
0xa5: {  	s26 =	simm.s32 $execute0_lowered;
	[smem:$0x3FD2] =	sst s25  }
0xa6: {  	s5 =	sshll.u32 s26, $0x1;
	_ =	strace $0x80000046;
	[dreg:$0x1] =	wrdreg $0xFFFFFFFF  }
0xa7: {  	s28 =	simm.s32 $_size_execute0_lowered;
	s3 =	sadd.s32 s3, s5;
	[dreg:$0x0] =	wrdreg $0x0  }
0xa8: {  	s5 =	sshll.u32 s28, $0x1;
	[dreg:$0x2] =	wrdreg s3  }
0xa9: {  	[dreg:$0x3] =	wrdreg s5  }
0xaa: {  	[dreg:$0x4] =	wrdreg $0xC0  }
0xab: {  	_ =	task [dreg:s7], $0x5FFFF  }
0xac: {  	[dreg:$0x1] =	wrdreg $0xFFFFFFFF  }
0xad: {  	[dreg:$0x0] =	wrdreg $0x60  }
0xae: {  	[dreg:$0x2] =	wrdreg s2  }
0xaf: {  	[dreg:$0x3] =	wrdreg s24  }
0xb0: {  	[dreg:$0x4] =	wrdreg $0x9  }
0xb1: {  	_ =	task.clear_ibuf [dreg:s7], $0x5FFFF;
	_ =	strace $0x90000046  }
0xb2: {  	s29 =	simm.s32 $0x9;
	_ =	strace $0x80000048  }
0xb3: {  	_ =	swait.ge [sflag:s29], $0x1  }
0xb4: {  	[sflag:s29] =	ssyncadd.s32 $0xFFFFFFFF  }
0xb5: {  	_ =	strace $0x90000048  }
0xb6: {  	_ =	sfence  }
0xb7: {  	s30 =	sld [smem:$0x0];
	_ =	sdelay $0x2  }
0xb8: {  	s31 =	sshll.u32 s1, $0xD;
	s1 =	sshrl.u32 s1, $0x2  }
0xb9: {  	s3 =	sand.u32 $0x4000, s31;
	s1 =	sadd.s32 s1, s30  }
0xba: {  	s0 =	sor.u32 s3, s0;
	s1 =	sshll.u32 s1, $0x11  }
0xbb: {  	s0 =	sor.u32 s1, s0  }
0xbc: {  	s0 =	sadd.s32 $0x8F2B, s0  }
0xbd: {  	[sflag:s0] =	ssyncadd.remote.s32 $0x1  }
0xbe: {  	_ =	sfence.sel $0xFFFF  }
0xbf: {  	[dreg:$0x0] =	wrdreg $0xFFFFFFFF;
	(pc) =	sbr.abs _section_cstart, $3  }
0xc0: {  	[dreg:$0x1] =	wrdreg $0xFFFFFFFF  }
0xc1: {  	_ =	task.clear_ibuf [dreg:s7], $0x2FFFF;
	_ =	strace $0x9FFFFFFF  }
0xc2: {  	(tm) =	ssettm $0x7FFFFFFF  }
0xc3: {  	_ =	shalt  }
tec
execute0_lowered:
.L_overlay_start_1:
0x0: {  	(tag) =	ssettag $0x1  }
0x1: {  	s4 =	rddreg [dreg:$0x0]  }
0x2: {  	s7 =	rddreg [dreg:$0x1];
	s1 =	simm.s32 $0x0  }
0x3: {  	s2 =	srdreg.scid;
	s12 =	simm.s32 $0x2;
	s13 =	simm.s32 $0x200  }
0x4: {  	s14 =	simm.s32 $0x3;
	s15 =	simm.s32 $0xA00;
	s16 =	simm.s32 $0x1200  }
0x5: {  	s17 =	simm.s32 $0x1A00;
	s18 =	simm.s32 $0x2200;
	s19 =	simm.s32 $0x2A00  }
0x6: {  	s20 =	simm.s32 $0x3200;
	s21 =	simm.s32 $0x3A00;
	s22 =	simm.s32 $0x4200  }
0x7: {  	s23 =	simm.s32 $0x4A00;
	s24 =	simm.s32 $0x5200;
	s25 =	simm.s32 $0x5A00  }
0x8: {  	s28 =	simm.s32 $0x6A00;
	s29 =	simm.s32 $0x7200;
	s30 =	simm.s32 $0x7A00  }
0x9: {  	s31 =	simm.s32 $0x1;
	[smem:$0x7FF] =	sst s1;
	s5 =	sand.u32 $0x1, s2  }
0xa: {  	s2 =	stileid.u32;
	_ =	strace $0x80000047;
	s3 =	sshll.u32 s5, $0x6  }
0xb: {  	s8 =	ssub.s32 $0x2, s5;
	s9 =	sshll.u32 s2, $0x7;
	s26 =	sshll.u32 s2, $0xF  }
0xc: {  	s5 =	sshll.u32 s5, $0xE;
	s6 =	sadd.s32 s3, s7;
	s3 =	sadd.s32 $0x2200, s7  }
0xd: {  	s10 =	sshrl.u32 s8, $0x1;
	s5 =	sor.u32 s5, s26;
	s26 =	simm.s32 $0x6200  }
0xe: {  	s6 =	sadd.s32 s9, s6;
	s11 =	ssub.s32 s8, s10;
	s4 =	sadd.s32 s4, s5  }
0xf: {  	v2 =	vlaneseq.u32;
	s5 =	sadd.s32 $0x2300, s7;
	s6 =	sadd.s32 $0x1A00, s6;
	s8 =	sadd.s32 $0x1000, s4  }
0x10: {  	vm0 =	vmmov $0xffff;
	v1 =	vshrl.u32 v2, $0x3;
	s9 =	sadd.s32 $0x2000, s4;
	s10 =	sadd.s32 $0x3000, s4;
	s11 =	smax.u32 s11, $0x1  }
0x11: {  	v0 =	vand.u32 $0x7, v2;
	v2 =	vor.u32 $0x8, v2;
	v1 =	vmul.u32 $0x8, v1;
	[dreg:$0x3] =	wrdreg s6;
	s6 =	sadd.s32 $0x2400, s7;
	s7 =	sadd.s32 $0x2500, s7  }
.LBB2_1:
0x12: {  	s0 =	rddreg [dreg:$0x3]  }
0x13: {  	[tilespmem:s1], [sflag:$0x2] =	stream.linear.gather [hbm4b:s0+s1], $0x200, $0x38;
	[tilespmem:$0x8200] =	vst v63  }
0x14: {  	_ =	swait.ge [sflag:s12], $0x200  }
0x15: {  	[sflag:s12] =	ssyncset.done $0x0  }
0x16: {  	[sflag:s12] =	ssyncadd.s32 $0xFFFFFE00  }
0x17: {  	[tilespmem:s13], [sflag:$0x3] =	stream.linear.gather [hbm4b:s4+s1], $0x8000, $0x38;
	[tilespmem:$0x8200] =	vst v63  }
0x18: {  	_ =	swait.ge [sflag:s14], $0x8000  }
0x19: {  	[sflag:s14] =	ssyncset.done $0x0  }
0x1a: {  	[sflag:s14] =	ssyncadd.s32 $0xFFFF8000  }
0x1b: {  	v3 =	vld [tilespmem:$0x0];
	_ =	sdelay $0x4  }
0x1c: {  	v4 =	vshll.u32 v3, $0x3  }
0x1d: {  	v3 =	vand.u32 $0x7, v3;
	v4 =	vand.u32 $0xFFFFFFC0, v4  }
0x1e: {  	v3 =	vor.u32 v3, v4  }
0x1f: {  	v4 =	vperm.xlane v3, v0;
	_ =	sdelay $0x1  }
0x20: {  	v4 =	vadd.s32 v1, v4;
	_ =	sdelay $0x4  }
0x21: {  	[hbm4b:s3+s1] =	stream.indirect_vreg.scatter [tilespmem:s13], [sflag:$0x1], $0x80, v4, vm0, $0xb8;
	[tilespmem:$0x8200] =	vst v63  }
0x22: {  	v3 =	vperm.xlane v3, v2  }
0x23: {  	[hbm4b:s5+s1] =	stream.indirect_vreg.scatter [tilespmem:s15], [sflag:$0x1], $0x80, v4, vm0, $0xb8;
	[tilespmem:$0x8200] =	vst v63  }
0x24: {  	v3 =	vadd.s32 v1, v3  }
0x25: {  	[hbm4b:s6+s1] =	stream.indirect_vreg.scatter [tilespmem:s16], [sflag:$0x1], $0x80, v4, vm0, $0xb8;
	[tilespmem:$0x8200] =	vst v63  }
0x26: {  	_ = 	snop  }
0x27: {  	[hbm4b:s7+s1] =	stream.indirect_vreg.scatter [tilespmem:s17], [sflag:$0x1], $0x80, v4, vm0, $0xb8;
	[tilespmem:$0x8200] =	vst v63  }
0x28: {  	_ = 	snop  }
0x29: {  	[hbm4b:s3+s1] =	stream.indirect_vreg.scatter [tilespmem:s18], [sflag:$0x1], $0x80, v3, vm0, $0xb8;
	[tilespmem:$0x8200] =	vst v63  }
0x2a: {  	_ = 	snop  }
0x2b: {  	[hbm4b:s5+s1] =	stream.indirect_vreg.scatter [tilespmem:s19], [sflag:$0x1], $0x80, v3, vm0, $0xb8;
	[tilespmem:$0x8200] =	vst v63  }
0x2c: {  	_ = 	snop  }
0x2d: {  	[hbm4b:s6+s1] =	stream.indirect_vreg.scatter [tilespmem:s20], [sflag:$0x1], $0x80, v3, vm0, $0xb8;
	[tilespmem:$0x8200] =	vst v63  }
0x2e: {  	_ = 	snop  }
0x2f: {  	[hbm4b:s7+s1] =	stream.indirect_vreg.scatter [tilespmem:s21], [sflag:$0x1], $0x80, v3, vm0, $0xb8;
	[tilespmem:$0x8200] =	vst v63  }
0x30: {  	v3 =	vld [tilespmem:$0x10];
	_ =	sdelay $0x4  }
0x31: {  	v57 =	vshll.u32 v3, $0x3  }
0x32: {  	v3 =	vand.u32 $0x7, v3;
	v4 =	vand.u32 $0xFFFFFFC0, v57  }
0x33: {  	v3 =	vor.u32 v3, v4  }
0x34: {  	v4 =	vperm.xlane v3, v0;
	_ =	sdelay $0x1  }
0x35: {  	v4 =	vadd.s32 v1, v4;
	_ =	sdelay $0x4  }
0x36: {  	[hbm4b:s3+s1] =	stream.indirect_vreg.scatter [tilespmem:s22], [sflag:$0x1], $0x80, v4, vm0, $0xb8;
	[tilespmem:$0x8200] =	vst v63  }
0x37: {  	v3 =	vperm.xlane v3, v2  }
0x38: {  	[hbm4b:s5+s1] =	stream.indirect_vreg.scatter [tilespmem:s23], [sflag:$0x1], $0x80, v4, vm0, $0xb8;
	[tilespmem:$0x8200] =	vst v63  }
0x39: {  	v3 =	vadd.s32 v1, v3  }
0x3a: {  	[hbm4b:s6+s1] =	stream.indirect_vreg.scatter [tilespmem:s24], [sflag:$0x1], $0x80, v4, vm0, $0xb8;
	[tilespmem:$0x8200] =	vst v63  }
0x3b: {  	_ = 	snop  }
0x3c: {  	[hbm4b:s7+s1] =	stream.indirect_vreg.scatter [tilespmem:s25], [sflag:$0x1], $0x80, v4, vm0, $0xb8;
	[tilespmem:$0x8200] =	vst v63  }
0x3d: {  	_ = 	snop  }
0x3e: {  	[hbm4b:s3+s1] =	stream.indirect_vreg.scatter [tilespmem:s26], [sflag:$0x1], $0x80, v3, vm0, $0xb8;
	[tilespmem:$0x8200] =	vst v63  }
0x3f: {  	_ = 	snop  }
0x40: {  	[hbm4b:s5+s1] =	stream.indirect_vreg.scatter [tilespmem:s28], [sflag:$0x1], $0x80, v3, vm0, $0xb8;
	[tilespmem:$0x8200] =	vst v63  }
0x41: {  	_ = 	snop  }
0x42: {  	[hbm4b:s6+s1] =	stream.indirect_vreg.scatter [tilespmem:s29], [sflag:$0x1], $0x80, v3, vm0, $0xb8;
	[tilespmem:$0x8200] =	vst v63  }
0x43: {  	_ = 	snop  }
0x44: {  	[hbm4b:s7+s1] =	stream.indirect_vreg.scatter [tilespmem:s30], [sflag:$0x1], $0x80, v3, vm0, $0xb8;
	[tilespmem:$0x8200] =	vst v63  }
0x45: {  	_ =	swait.ge [sflag:s31], $0x8000  }
0x46: {  	[sflag:s31] =	ssyncset.done $0x0  }
0x47: {  	[sflag:s31] =	ssyncadd.s32 $0xFFFF8000  }
0x48: {  	[tilespmem:s13], [sflag:$0x3] =	stream.linear.gather [hbm4b:s8+s1], $0x8000, $0x38;
	[tilespmem:$0x8200] =	vst v63  }
0x49: {  	_ =	swait.ge [sflag:s14], $0x8000  }
0x4a: {  	[sflag:s14] =	ssyncset.done $0x0  }
0x4b: {  	[sflag:s14] =	ssyncadd.s32 $0xFFFF8000  }
0x4c: {  	v3 =	vld [tilespmem:$0x80];
	_ =	sdelay $0x4  }
0x4d: {  	v58 =	vshll.u32 v3, $0x3  }
0x4e: {  	v3 =	vand.u32 $0x7, v3;
	v4 =	vand.u32 $0xFFFFFFC0, v58  }
0x4f: {  	v3 =	vor.u32 v3, v4  }
0x50: {  	v4 =	vperm.xlane v3, v0;
	_ =	sdelay $0x1  }
0x51: {  	v4 =	vadd.s32 v1, v4;
	_ =	sdelay $0x4  }
0x52: {  	[hbm4b:s3+s1] =	stream.indirect_vreg.scatter [tilespmem:s13], [sflag:$0x1], $0x80, v4, vm0, $0xb8;
	[tilespmem:$0x8200] =	vst v63  }
0x53: {  	v3 =	vperm.xlane v3, v2  }
0x54: {  	[hbm4b:s5+s1] =	stream.indirect_vreg.scatter [tilespmem:s15], [sflag:$0x1], $0x80, v4, vm0, $0xb8;
	[tilespmem:$0x8200] =	vst v63  }
0x55: {  	v3 =	vadd.s32 v1, v3  }
0x56: {  	[hbm4b:s6+s1] =	stream.indirect_vreg.scatter [tilespmem:s16], [sflag:$0x1], $0x80, v4, vm0, $0xb8;
	[tilespmem:$0x8200] =	vst v63  }
0x57: {  	_ = 	snop  }
0x58: {  	[hbm4b:s7+s1] =	stream.indirect_vreg.scatter [tilespmem:s17], [sflag:$0x1], $0x80, v4, vm0, $0xb8;
	[tilespmem:$0x8200] =	vst v63  }
0x59: {  	_ = 	snop  }
0x5a: {  	[hbm4b:s3+s1] =	stream.indirect_vreg.scatter [tilespmem:s18], [sflag:$0x1], $0x80, v3, vm0, $0xb8;
	[tilespmem:$0x8200] =	vst v63  }
0x5b: {  	_ = 	snop  }
0x5c: {  	[hbm4b:s5+s1] =	stream.indirect_vreg.scatter [tilespmem:s19], [sflag:$0x1], $0x80, v3, vm0, $0xb8;
	[tilespmem:$0x8200] =	vst v63  }
0x5d: {  	_ = 	snop  }
0x5e: {  	[hbm4b:s6+s1] =	stream.indirect_vreg.scatter [tilespmem:s20], [sflag:$0x1], $0x80, v3, vm0, $0xb8;
	[tilespmem:$0x8200] =	vst v63  }
0x5f: {  	_ = 	snop  }
0x60: {  	[hbm4b:s7+s1] =	stream.indirect_vreg.scatter [tilespmem:s21], [sflag:$0x1], $0x80, v3, vm0, $0xb8;
	[tilespmem:$0x8200] =	vst v63  }
0x61: {  	v3 =	vld [tilespmem:$0x90];
	_ =	sdelay $0x4  }
0x62: {  	v59 =	vshll.u32 v3, $0x3  }
0x63: {  	v3 =	vand.u32 $0x7, v3;
	v4 =	vand.u32 $0xFFFFFFC0, v59  }
0x64: {  	v3 =	vor.u32 v3, v4  }
0x65: {  	v4 =	vperm.xlane v3, v0;
	_ =	sdelay $0x1  }
0x66: {  	v4 =	vadd.s32 v1, v4;
	_ =	sdelay $0x4  }
0x67: {  	[hbm4b:s3+s1] =	stream.indirect_vreg.scatter [tilespmem:s22], [sflag:$0x1], $0x80, v4, vm0, $0xb8;
	[tilespmem:$0x8200] =	vst v63  }
0x68: {  	v3 =	vperm.xlane v3, v2  }
0x69: {  	[hbm4b:s5+s1] =	stream.indirect_vreg.scatter [tilespmem:s23], [sflag:$0x1], $0x80, v4, vm0, $0xb8;
	[tilespmem:$0x8200] =	vst v63  }
0x6a: {  	v3 =	vadd.s32 v1, v3  }
0x6b: {  	[hbm4b:s6+s1] =	stream.indirect_vreg.scatter [tilespmem:s24], [sflag:$0x1], $0x80, v4, vm0, $0xb8;
	[tilespmem:$0x8200] =	vst v63  }
0x6c: {  	_ = 	snop  }
0x6d: {  	[hbm4b:s7+s1] =	stream.indirect_vreg.scatter [tilespmem:s25], [sflag:$0x1], $0x80, v4, vm0, $0xb8;
	[tilespmem:$0x8200] =	vst v63  }
0x6e: {  	_ = 	snop  }
0x6f: {  	[hbm4b:s3+s1] =	stream.indirect_vreg.scatter [tilespmem:s26], [sflag:$0x1], $0x80, v3, vm0, $0xb8;
	[tilespmem:$0x8200] =	vst v63  }
0x70: {  	_ = 	snop  }
0x71: {  	[hbm4b:s5+s1] =	stream.indirect_vreg.scatter [tilespmem:s28], [sflag:$0x1], $0x80, v3, vm0, $0xb8;
	[tilespmem:$0x8200] =	vst v63  }
0x72: {  	_ = 	snop  }
0x73: {  	[hbm4b:s6+s1] =	stream.indirect_vreg.scatter [tilespmem:s29], [sflag:$0x1], $0x80, v3, vm0, $0xb8;
	[tilespmem:$0x8200] =	vst v63  }
0x74: {  	_ = 	snop  }
0x75: {  	[hbm4b:s7+s1] =	stream.indirect_vreg.scatter [tilespmem:s30], [sflag:$0x1], $0x80, v3, vm0, $0xb8;
	[tilespmem:$0x8200] =	vst v63  }
0x76: {  	_ =	swait.ge [sflag:s31], $0x8000  }
0x77: {  	[sflag:s31] =	ssyncset.done $0x0  }
0x78: {  	[sflag:s31] =	ssyncadd.s32 $0xFFFF8000  }
0x79: {  	[tilespmem:s13], [sflag:$0x3] =	stream.linear.gather [hbm4b:s9+s1], $0x8000, $0x38;
	[tilespmem:$0x8200] =	vst v63  }
0x7a: {  	_ =	swait.ge [sflag:s14], $0x8000  }
0x7b: {  	[sflag:s14] =	ssyncset.done $0x0  }
0x7c: {  	[sflag:s14] =	ssyncadd.s32 $0xFFFF8000  }
0x7d: {  	v3 =	vld [tilespmem:$0x100];
	_ =	sdelay $0x4  }
0x7e: {  	v60 =	vshll.u32 v3, $0x3  }
0x7f: {  	v3 =	vand.u32 $0x7, v3;
	v4 =	vand.u32 $0xFFFFFFC0, v60  }
0x80: {  	v3 =	vor.u32 v3, v4  }
0x81: {  	v4 =	vperm.xlane v3, v0;
	_ =	sdelay $0x1  }
0x82: {  	v4 =	vadd.s32 v1, v4;
	_ =	sdelay $0x4  }
0x83: {  	[hbm4b:s3+s1] =	stream.indirect_vreg.scatter [tilespmem:s13], [sflag:$0x1], $0x80, v4, vm0, $0xb8;
	[tilespmem:$0x8200] =	vst v63  }
0x84: {  	v3 =	vperm.xlane v3, v2  }
0x85: {  	[hbm4b:s5+s1] =	stream.indirect_vreg.scatter [tilespmem:s15], [sflag:$0x1], $0x80, v4, vm0, $0xb8;
	[tilespmem:$0x8200] =	vst v63  }
0x86: {  	v3 =	vadd.s32 v1, v3  }
0x87: {  	[hbm4b:s6+s1] =	stream.indirect_vreg.scatter [tilespmem:s16], [sflag:$0x1], $0x80, v4, vm0, $0xb8;
	[tilespmem:$0x8200] =	vst v63  }
0x88: {  	_ = 	snop  }
0x89: {  	[hbm4b:s7+s1] =	stream.indirect_vreg.scatter [tilespmem:s17], [sflag:$0x1], $0x80, v4, vm0, $0xb8;
	[tilespmem:$0x8200] =	vst v63  }
0x8a: {  	_ = 	snop  }
0x8b: {  	[hbm4b:s3+s1] =	stream.indirect_vreg.scatter [tilespmem:s18], [sflag:$0x1], $0x80, v3, vm0, $0xb8;
	[tilespmem:$0x8200] =	vst v63  }
0x8c: {  	_ = 	snop  }
0x8d: {  	[hbm4b:s5+s1] =	stream.indirect_vreg.scatter [tilespmem:s19], [sflag:$0x1], $0x80, v3, vm0, $0xb8;
	[tilespmem:$0x8200] =	vst v63  }
0x8e: {  	_ = 	snop  }
0x8f: {  	[hbm4b:s6+s1] =	stream.indirect_vreg.scatter [tilespmem:s20], [sflag:$0x1], $0x80, v3, vm0, $0xb8;
	[tilespmem:$0x8200] =	vst v63  }
0x90: {  	_ = 	snop  }
0x91: {  	[hbm4b:s7+s1] =	stream.indirect_vreg.scatter [tilespmem:s21], [sflag:$0x1], $0x80, v3, vm0, $0xb8;
	[tilespmem:$0x8200] =	vst v63  }
0x92: {  	v3 =	vld [tilespmem:$0x110];
	_ =	sdelay $0x4  }
0x93: {  	v61 =	vshll.u32 v3, $0x3  }
0x94: {  	v3 =	vand.u32 $0x7, v3;
	v4 =	vand.u32 $0xFFFFFFC0, v61  }
0x95: {  	v3 =	vor.u32 v3, v4  }
0x96: {  	v4 =	vperm.xlane v3, v0;
	_ =	sdelay $0x1  }
0x97: {  	v4 =	vadd.s32 v1, v4;
	_ =	sdelay $0x4  }
0x98: {  	[hbm4b:s3+s1] =	stream.indirect_vreg.scatter [tilespmem:s22], [sflag:$0x1], $0x80, v4, vm0, $0xb8;
	[tilespmem:$0x8200] =	vst v63  }
0x99: {  	v3 =	vperm.xlane v3, v2  }
0x9a: {  	[hbm4b:s5+s1] =	stream.indirect_vreg.scatter [tilespmem:s23], [sflag:$0x1], $0x80, v4, vm0, $0xb8;
	[tilespmem:$0x8200] =	vst v63  }
0x9b: {  	v3 =	vadd.s32 v1, v3  }
0x9c: {  	[hbm4b:s6+s1] =	stream.indirect_vreg.scatter [tilespmem:s24], [sflag:$0x1], $0x80, v4, vm0, $0xb8;
	[tilespmem:$0x8200] =	vst v63  }
0x9d: {  	_ = 	snop  }
0x9e: {  	[hbm4b:s7+s1] =	stream.indirect_vreg.scatter [tilespmem:s25], [sflag:$0x1], $0x80, v4, vm0, $0xb8;
	[tilespmem:$0x8200] =	vst v63  }
0x9f: {  	_ = 	snop  }
0xa0: {  	[hbm4b:s3+s1] =	stream.indirect_vreg.scatter [tilespmem:s26], [sflag:$0x1], $0x80, v3, vm0, $0xb8;
	[tilespmem:$0x8200] =	vst v63  }
0xa1: {  	_ = 	snop  }
0xa2: {  	[hbm4b:s5+s1] =	stream.indirect_vreg.scatter [tilespmem:s28], [sflag:$0x1], $0x80, v3, vm0, $0xb8;
	[tilespmem:$0x8200] =	vst v63  }
0xa3: {  	_ = 	snop  }
0xa4: {  	[hbm4b:s6+s1] =	stream.indirect_vreg.scatter [tilespmem:s29], [sflag:$0x1], $0x80, v3, vm0, $0xb8;
	[tilespmem:$0x8200] =	vst v63  }
0xa5: {  	_ = 	snop  }
0xa6: {  	[hbm4b:s7+s1] =	stream.indirect_vreg.scatter [tilespmem:s30], [sflag:$0x1], $0x80, v3, vm0, $0xb8;
	[tilespmem:$0x8200] =	vst v63  }
0xa7: {  	_ =	swait.ge [sflag:s31], $0x8000  }
0xa8: {  	[sflag:s31] =	ssyncset.done $0x0  }
0xa9: {  	[sflag:s31] =	ssyncadd.s32 $0xFFFF8000  }
0xaa: {  	[tilespmem:s13], [sflag:$0x3] =	stream.linear.gather [hbm4b:s10+s1], $0x8000, $0x38;
	[tilespmem:$0x8200] =	vst v63  }
0xab: {  	_ =	swait.ge [sflag:s14], $0x8000  }
0xac: {  	[sflag:s14] =	ssyncset.done $0x0  }
0xad: {  	[sflag:s14] =	ssyncadd.s32 $0xFFFF8000  }
0xae: {  	v3 =	vld [tilespmem:$0x180];
	_ =	sdelay $0x4  }
0xaf: {  	v62 =	vshll.u32 v3, $0x3  }
0xb0: {  	v3 =	vand.u32 $0x7, v3;
	v4 =	vand.u32 $0xFFFFFFC0, v62  }
0xb1: {  	v3 =	vor.u32 v3, v4  }
0xb2: {  	v4 =	vperm.xlane v3, v0;
	_ =	sdelay $0x1  }
0xb3: {  	v4 =	vadd.s32 v1, v4;
	_ =	sdelay $0x4  }
0xb4: {  	[hbm4b:s3+s1] =	stream.indirect_vreg.scatter [tilespmem:s13], [sflag:$0x1], $0x80, v4, vm0, $0xb8;
	[tilespmem:$0x8200] =	vst v63  }
0xb5: {  	v3 =	vperm.xlane v3, v2  }
0xb6: {  	[hbm4b:s5+s1] =	stream.indirect_vreg.scatter [tilespmem:s15], [sflag:$0x1], $0x80, v4, vm0, $0xb8;
	[tilespmem:$0x8200] =	vst v63  }
0xb7: {  	v3 =	vadd.s32 v1, v3  }
0xb8: {  	[hbm4b:s6+s1] =	stream.indirect_vreg.scatter [tilespmem:s16], [sflag:$0x1], $0x80, v4, vm0, $0xb8;
	[tilespmem:$0x8200] =	vst v63  }
0xb9: {  	_ = 	snop  }
0xba: {  	[hbm4b:s7+s1] =	stream.indirect_vreg.scatter [tilespmem:s17], [sflag:$0x1], $0x80, v4, vm0, $0xb8;
	[tilespmem:$0x8200] =	vst v63  }
0xbb: {  	_ = 	snop  }
0xbc: {  	[hbm4b:s3+s1] =	stream.indirect_vreg.scatter [tilespmem:s18], [sflag:$0x1], $0x80, v3, vm0, $0xb8;
	[tilespmem:$0x8200] =	vst v63  }
0xbd: {  	_ = 	snop  }
0xbe: {  	[hbm4b:s5+s1] =	stream.indirect_vreg.scatter [tilespmem:s19], [sflag:$0x1], $0x80, v3, vm0, $0xb8;
	[tilespmem:$0x8200] =	vst v63  }
0xbf: {  	_ = 	snop  }
0xc0: {  	[hbm4b:s6+s1] =	stream.indirect_vreg.scatter [tilespmem:s20], [sflag:$0x1], $0x80, v3, vm0, $0xb8;
	[tilespmem:$0x8200] =	vst v63  }
0xc1: {  	_ = 	snop  }
0xc2: {  	[hbm4b:s7+s1] =	stream.indirect_vreg.scatter [tilespmem:s21], [sflag:$0x1], $0x80, v3, vm0, $0xb8;
	[tilespmem:$0x8200] =	vst v63  }
0xc3: {  	v3 =	vld [tilespmem:$0x190];
	_ =	sdelay $0x4  }
0xc4: {  	v63 =	vshll.u32 v3, $0x3  }
0xc5: {  	v3 =	vand.u32 $0x7, v3;
	v4 =	vand.u32 $0xFFFFFFC0, v63  }
0xc6: {  	v3 =	vor.u32 v3, v4  }
0xc7: {  	v4 =	vperm.xlane v3, v0;
	_ =	sdelay $0x1  }
0xc8: {  	v4 =	vadd.s32 v1, v4;
	_ =	sdelay $0x4  }
0xc9: {  	[hbm4b:s3+s1] =	stream.indirect_vreg.scatter [tilespmem:s22], [sflag:$0x1], $0x80, v4, vm0, $0xb8;
	[tilespmem:$0x8200] =	vst v63  }
0xca: {  	v3 =	vperm.xlane v3, v2  }
0xcb: {  	[hbm4b:s5+s1] =	stream.indirect_vreg.scatter [tilespmem:s23], [sflag:$0x1], $0x80, v4, vm0, $0xb8;
	[tilespmem:$0x8200] =	vst v63  }
0xcc: {  	v3 =	vadd.s32 v1, v3  }
0xcd: {  	[hbm4b:s6+s1] =	stream.indirect_vreg.scatter [tilespmem:s24], [sflag:$0x1], $0x80, v4, vm0, $0xb8;
	[tilespmem:$0x8200] =	vst v63  }
0xce: {  	_ = 	snop  }
0xcf: {  	[hbm4b:s7+s1] =	stream.indirect_vreg.scatter [tilespmem:s25], [sflag:$0x1], $0x80, v4, vm0, $0xb8;
	[tilespmem:$0x8200] =	vst v63  }
0xd0: {  	_ = 	snop  }
0xd1: {  	[hbm4b:s3+s1] =	stream.indirect_vreg.scatter [tilespmem:s26], [sflag:$0x1], $0x80, v3, vm0, $0xb8;
	[tilespmem:$0x8200] =	vst v63  }
0xd2: {  	_ = 	snop  }
0xd3: {  	[hbm4b:s5+s1] =	stream.indirect_vreg.scatter [tilespmem:s28], [sflag:$0x1], $0x80, v3, vm0, $0xb8;
	[tilespmem:$0x8200] =	vst v63  }
0xd4: {  	p0 =	sne.s32 s11, $0x1  }
0xd5: {  	[hbm4b:s6+s1] =	stream.indirect_vreg.scatter [tilespmem:s29], [sflag:$0x1], $0x80, v3, vm0, $0xb8;
	[tilespmem:$0x8200] =	vst v63  }
.Ltmp0:
0xd6: {  	_ = 	snop;
	(pc) =	sbr.rel @p0 .LBB2_1-.Ltmp0, $4  }
0xd7: {  	[hbm4b:s7+s1] =	stream.indirect_vreg.scatter [tilespmem:s30], [sflag:$0x1], $0x80, v3, vm0, $0xb8;
	[tilespmem:$0x8200] =	vst v63  }
0xd8: {  	_ =	swait.ge [sflag:s31], $0x8000  }
0xd9: {  	[sflag:s31] =	ssyncset.done $0x0  }
0xda: {  	s11 =	sadd.s32 $0xFFFFFFFF, s11;
	[sflag:s31] =	ssyncadd.s32 $0xFFFF8000  }
0xdb: {  	_ =	sfence.sel $0x180000  }
0xdc: {  	[bflag:$0x0] =	sbarrier.arrive $0xFFFF  }
0xdd: {  	_ =	strace $0x90000047  }
0xde: {  	[bflag:$0x2] =	sbarrier.arrive $0xFFFF  }
0xdf: {  	p0 =	sne.s32 s2, $0x0;
	s0 =	rddreg [dreg:$0x2]  }
0xe0: {  	s0 =	sadd.s32 @!p0 $0x100000, s0  }
0xe1: {  	[sflag:s0] =	ssyncadd.tile.s32 @!p0 $0x1;
	_ =	shalt  }
.Lfunc_end2:
_tile_overlayer_lowered:
.L_overlay_start_2:
0xe2: {  	(tag) =	ssettag $0x2  }
0xe3: {  	s0 =	rddreg [dreg:$0x0];
	s2 =	stileid.u32  }
0xe4: {  	s1 =	rddreg [dreg:$0x1];
	p0 =	sne.s32 s2, $0x0  }
0xe5: {  	s3 =	rddreg [dreg:$0x2];
	[bflag:$0x3] =	sbarrier.arrive $0xFFFF;
	s2 =	simm.s32 @!p0 $0x1C03  }
0xe6: {  	[timem:s3], [sflag:s2] =	dma.local @!p0 [hbm:s0], s1  }
0xe7: {  	s0 =	simm.s32 @!p0 $0x3  }
0xe8: {  	_ =	swait.ge @!p0 [sflag:s0], s1  }
0xe9: {  	s1 =	ssub.s32 @!p0 $0x0, s1;
	[sflag:s0] =	ssyncset.done @!p0 $0x0  }
0xea: {  	[sflag:s0] =	ssyncadd.s32 @!p0 s1  }
0xeb: {  	[bflag:$0x3] =	sbarrier.arrive $0xFFFF  }
0xec: {  	_ =	shalt  }

// kernel: kernel.9.cloned.1.call-start
scs
__scs_entry_jumppad:
0x0: {  	(pc) =	sbr.rel $0x88, $3  }
0x1: {  	(tag) =	ssettag $0x0;
	lr =	simm.s32 $0x1  }
0x2: {  	[smem:$0x3F98] =	sst lr;
	_ =	strace $0xD0000000  }
0x3: {  	_ = 	snop  }
0x4: {  	_ = 	snop  }
0x5: {  	_ = 	snop  }
0x6: {  	_ = 	snop  }
0x7: {  	_ = 	snop  }
__scs_overlays_trampoline_lowered:
0x8: {  	[smem:$0x3FA7] =	sst s0  }
0x9: {  	[smem:$0x3FA8] =	sst s1  }
0xa: {  	[smem:$0x3FA9] =	sst s2  }
0xb: {  	[smem:$0x3FAA] =	sst s3  }
0xc: {  	[smem:$0x3FAB] =	sst s4  }
0xd: {  	[smem:$0x3FAC] =	sst s5  }
0xe: {  	[smem:$0x3FAD] =	sst s6  }
0xf: {  	[smem:$0x3FAE] =	sst s7  }
0x10: {  	[smem:$0x3FAF] =	sst s8  }
0x11: {  	[smem:$0x3FB0] =	sst s9;
	s0 =	simm.s32 @!p0 $0x0  }
0x12: {  	s1 =	sld [smem:$0x3F96];
	s0 =	simm.s32 @p0 $0x1  }
0x13: {  	[smem:$0x3FB1] =	sst s0;
	s0 =	simm.s32 @!p1 $0x0  }
0x14: {  	s2 =	sld [smem:$0x3F95];
	s0 =	simm.s32 @p1 $0x1  }
0x15: {  	[smem:$0x3FB2] =	sst s0;
	s0 =	simm.s32 @!p2 $0x0  }
0x16: {  	s3 =	sld [smem:$0x3FDB];
	s0 =	simm.s32 @p2 $0x1  }
0x17: {  	s4 =	simm.s32 $0x1BF5;
	[smem:$0x3FB4] =	sst s0  }
0x18: {  	s0 =	sld [smem:$0x3F97];
	_ =	swait.ge [sflag:s4], $0x0  }
0x19: {  	s7 =	sld [smem:$0x3F98]  }
0x1a: {  	s8 =	sadd.s32 $0xFFFFE003, lr  }
0x1b: {  	s9 =	sadd.s32 $0xFFFFFEF7, lr;
	s5 =	simm.s32 $0xFFFFFFFF;
	p2 =	slt.u32 s8, $0xFFFFF086  }
0x1c: {  	p1 =	slt.u32 s9, $0xF7A;
	s5 =	simm.s32 @!p2 $0x0  }
0x1d: {  	s5 =	simm.s32 @p1 $0x1;
	p0 =	seq.s32 s7, s2  }
0x1e: {  	s7 =	smul.u32 @!p0 $0xF7A, s2;
	p2 =	seq.s32 @!p0 s5, $0x0  }
0x1f: {  	s9 =	smul.u32 $0xF7A, s1;
	s8 =	simm.s32 @!p0 $0x1BF5;
	p2 =	por !p2, p0  }
0x20: {  	[sflag:s8] =	ssyncset.s32 @!p0 $0xFFFFF086;
	s6 =	sadd.s32 @!p0 s3, s7;
	s7 =	simm.s32 @!p0 $0x108  }
0x21: {  	s3 =	sadd.s32 s3, s9;
	s6 =	sadd.s32 @!p0 $0x88, s6;
	s7 =	simm.s32 @p2 $0x1082  }
0x22: {  	[simem:s7], [sflag:s8] =	dma.local @!p0 [hbm:s6], $0xF7A  }
0x23: {  	s9 =	sor.u32 $0xD0000000, s2;
	s6 =	simm.s32 $0x108;
	_ =	swait.ge @!p0 [sflag:s8], $0x0  }
0x24: {  	s3 =	sadd.s32 $0x88, s3;
	s6 =	simm.s32 @!p1 $0x1082;
	[sflag:s4] =	ssyncset.s32 $0xFFFFF086  }
0x25: {  	[simem:s6], [sflag:s4] =	dma.local [hbm:s3], $0xF7A  }
0x26: {  	[smem:$0x3F98] =	sst s1;
	(tag) =	ssettag s2;
	_ =	strace s9  }
0x27: {  	s1 =	sld [smem:$0x3FA8]  }
0x28: {  	s2 =	sld [smem:$0x3FA9]  }
0x29: {  	s4 =	sld [smem:$0x3FAB]  }
0x2a: {  	p0 =	seq.s32 s5, $0x0;
	s5 =	sld [smem:$0x3FAC]  }
0x2b: {  	s6 =	sld [smem:$0x3FAD]  }
0x2c: {  	s7 =	sld [smem:$0x3FAE]  }
0x2d: {  	s3 =	simm.s32 $0x108;
	s8 =	sld [smem:$0x3FAF]  }
0x2e: {  	s3 =	simm.s32 @!p0 $0x1082;
	s9 =	sld [smem:$0x3FB0]  }
0x2f: {  	lr =	sadd.s32 s0, s3;
	s0 =	sld [smem:$0x3FA7]  }
0x30: {  	s3 =	sld [smem:$0x3FAA]  }
0x31: {  	[smem:$0x3FB3] =	sst s10  }
0x32: {  	s10 =	sld [smem:$0x3FB1];
	_ =	sdelay $0x3  }
0x33: {  	p0 =	seq.s32 s10, $0x1;
	s10 =	sld [smem:$0x3FB3];
	_ =	sdelay $0x3  }
0x34: {  	[smem:$0x3FB3] =	sst s10  }
0x35: {  	s10 =	sld [smem:$0x3FB2];
	_ =	sdelay $0x3  }
0x36: {  	p1 =	seq.s32 s10, $0x1;
	s10 =	sld [smem:$0x3FB3];
	_ =	sdelay $0x3  }
0x37: {  	[smem:$0x3FB3] =	sst s10  }
0x38: {  	s10 =	sld [smem:$0x3FB4]  }
0x39: {  	_ = 	snop;
	(pc) =	sbr.ind lr, $3  }
0x3a: {  	_ = 	snop  }
0x3b: {  	_ = 	snop  }
0x3c: {  	p2 =	seq.s32 s10, $0x1;
	s10 =	sld [smem:$0x3FB3]  }
0x3d: {  	_ =	shalt  }
0x3e: {  	_ =	shalt  }
0x3f: {  	_ =	shalt  }
0x40: {  	_ =	shalt  }
0x41: {  	_ =	shalt  }
0x42: {  	_ =	shalt  }
0x43: {  	_ =	shalt  }
0x44: {  	_ =	shalt  }
0x45: {  	_ =	shalt  }
0x46: {  	_ =	shalt  }
0x47: {  	_ =	shalt  }
0x48: {  	_ =	shalt  }
0x49: {  	_ =	shalt  }
0x4a: {  	_ =	shalt  }
0x4b: {  	_ =	shalt  }
0x4c: {  	_ =	shalt  }
0x4d: {  	_ =	shalt  }
0x4e: {  	_ =	shalt  }
0x4f: {  	_ =	shalt  }
0x50: {  	_ =	shalt  }
0x51: {  	_ =	shalt  }
0x52: {  	_ =	shalt  }
0x53: {  	_ =	shalt  }
0x54: {  	_ =	shalt  }
0x55: {  	_ =	shalt  }
0x56: {  	_ =	shalt  }
0x57: {  	_ =	shalt  }
0x58: {  	_ =	shalt  }
0x59: {  	_ =	shalt  }
0x5a: {  	_ =	shalt  }
0x5b: {  	_ =	shalt  }
0x5c: {  	_ =	shalt  }
0x5d: {  	_ =	shalt  }
0x5e: {  	_ =	shalt  }
0x5f: {  	_ =	shalt  }
0x60: {  	_ =	shalt  }
0x61: {  	_ =	shalt  }
0x62: {  	_ =	shalt  }
0x63: {  	_ =	shalt  }
0x64: {  	_ =	shalt  }
0x65: {  	_ =	shalt  }
0x66: {  	_ =	shalt  }
0x67: {  	_ =	shalt  }
0x68: {  	_ =	shalt  }
0x69: {  	_ =	shalt  }
0x6a: {  	_ =	shalt  }
0x6b: {  	_ =	shalt  }
0x6c: {  	_ =	shalt  }
0x6d: {  	_ =	shalt  }
0x6e: {  	_ =	shalt  }
0x6f: {  	_ =	shalt  }
0x70: {  	_ =	shalt  }
0x71: {  	_ =	shalt  }
0x72: {  	_ =	shalt  }
0x73: {  	_ =	shalt  }
0x74: {  	_ =	shalt  }
0x75: {  	_ =	shalt  }
0x76: {  	_ =	shalt  }
0x77: {  	_ =	shalt  }
0x78: {  	_ =	shalt  }
0x79: {  	_ =	shalt  }
0x7a: {  	_ =	shalt  }
0x7b: {  	_ =	shalt  }
0x7c: {  	_ =	shalt  }
0x7d: {  	_ =	shalt  }
0x7e: {  	_ =	shalt  }
0x7f: {  	_ =	shalt  }
0x80: {  	_ =	shalt  }
0x81: {  	_ =	shalt  }
0x82: {  	_ =	shalt  }
0x83: {  	_ =	shalt  }
0x84: {  	_ =	shalt  }
0x85: {  	_ =	shalt  }
0x86: {  	_ =	shalt  }
0x87: {  	_ =	shalt  }
.Lfunc_end0:
.L_simem_size_0:
called_computation.1_lowered:
.L_overlay_start_0:
0x88: {  	s2 =	sld [smem:$0x3FD9]  }
0x89: {  	s3 =	sld [smem:$0x3FFE];
	_ =	sdelay $0x1  }
0x8a: {  	s1 =	srdreg.scid  }
0x8b: {  	s0 =	sand.u32 $0x1, s1  }
0x8c: {  	s17 =	sshll.u32 s0, $0xA;
	s2 =	sadd.s32 s3, s2  }
0x8d: {  	s2 =	sadd.s32 s2, s17  }
0x8e: {  	[smem:$0x3FBF] =	sst s2  }
0x8f: {  	_ = 	snop  }
0x90: {  	s2 =	sld [smem:$0x3FD0];
	(tm) =	ssettm $0x1  }
0x91: {  	s18 =	sld [smem:$0x3FFB];
	_ =	sdelay $0x3  }
0x92: {  	_ =	strace s18  }
0x93: {  	s3 =	sld [smem:$0x3FFC];
	_ =	sdelay $0x3  }
0x94: {  	_ =	strace s3  }
0x95: {  	s3 =	sld [smem:$0x3FFD];
	_ =	sdelay $0x3  }
0x96: {  	_ =	strace s3  }
0x97: {  	_ =	strace $0x8FFFFFFF  }
0x98: {  	s19 =	sld [smem:$0x3FDB];
	_ =	sdelay $0x1  }
0x99: {  	s4 =	simm.s32 $_scs_section_size  }
0x9a: {  	s5 =	simm.s32 $_size__tile_overlayer_lowered;
	s6 =	simm.s32 $_tile_overlayer_lowered  }
0x9b: {  	s22 =	simm.s32 $0x1BFF;
	s21 =	sshll.u32 s6, $0x1;
	s3 =	sadd.s32 s4, s19  }
0x9c: {  	s7 =	simm.s32 $0x0;
	s20 =	sshll.u32 s5, $0x1;
	s5 =	sadd.s32 s21, s3  }
0x9d: {  	[timem:s7], [sflag:s22] =	dma.local [hbm:s5], s20  }
0x9e: {  	_ =	swait.ge [sflag:s22], s20  }
0x9f: {  	s4 =	ssub.s32 $0x0, s20;
	[sflag:s22] =	ssyncset.done $0x0  }
0xa0: {  	[sflag:s22] =	ssyncadd.s32 s4;
	_ =	sdelay $0x1  }
0xa1: {  	s23 =	simm.s32 $0x1B8B  }
0xa2: {  	_ =	swait.ge [sflag:s23], $0x1  }
0xa3: {  	[sflag:s23] =	ssyncset.done $0x0  }
0xa4: {  	s25 =	simm.s32 $0x1B8E;
	s24 =	sld [smem:$0x3FFE];
	[sflag:s23] =	ssyncadd.s32 $0xFFFFFFFF  }
0xa5: {  	s26 =	simm.s32 $execute0_lowered;
	[smem:$0x3FD2] =	sst s25  }
0xa6: {  	s5 =	sshll.u32 s26, $0x1;
	_ =	strace $0x80000049;
	[dreg:$0x1] =	wrdreg $0xFFFFFFFF  }
0xa7: {  	s28 =	simm.s32 $_size_execute0_lowered;
	s3 =	sadd.s32 s3, s5;
	[dreg:$0x0] =	wrdreg $0x0  }
0xa8: {  	s5 =	sshll.u32 s28, $0x1;
	[dreg:$0x2] =	wrdreg s3  }
0xa9: {  	[dreg:$0x3] =	wrdreg s5  }
0xaa: {  	[dreg:$0x4] =	wrdreg $0xC0  }
0xab: {  	_ =	task [dreg:s7], $0x5FFFF  }
0xac: {  	[dreg:$0x1] =	wrdreg $0xFFFFFFFF  }
0xad: {  	[dreg:$0x0] =	wrdreg $0x60  }
0xae: {  	[dreg:$0x2] =	wrdreg s24  }
0xaf: {  	[dreg:$0x3] =	wrdreg s2  }
0xb0: {  	[dreg:$0x4] =	wrdreg $0x9  }
0xb1: {  	_ =	task.clear_ibuf [dreg:s7], $0x5FFFF;
	_ =	strace $0x90000049  }
0xb2: {  	s29 =	simm.s32 $0x9;
	_ =	strace $0x8000004B  }
0xb3: {  	_ =	swait.ge [sflag:s29], $0x1  }
0xb4: {  	[sflag:s29] =	ssyncadd.s32 $0xFFFFFFFF  }
0xb5: {  	_ =	strace $0x9000004B  }
0xb6: {  	_ =	sfence  }
0xb7: {  	s30 =	sld [smem:$0x0];
	_ =	sdelay $0x2  }
0xb8: {  	s31 =	sshll.u32 s1, $0xD;
	s1 =	sshrl.u32 s1, $0x2  }
0xb9: {  	s3 =	sand.u32 $0x4000, s31;
	s1 =	sadd.s32 s1, s30  }
0xba: {  	s0 =	sor.u32 s3, s0;
	s1 =	sshll.u32 s1, $0x11  }
0xbb: {  	s0 =	sor.u32 s1, s0  }
0xbc: {  	s0 =	sadd.s32 $0x8F2B, s0  }
0xbd: {  	[sflag:s0] =	ssyncadd.remote.s32 $0x1  }
0xbe: {  	_ =	sfence.sel $0xFFFF  }
0xbf: {  	[dreg:$0x0] =	wrdreg $0xFFFFFFFF;
	(pc) =	sbr.abs _section_cstart, $3  }
0xc0: {  	[dreg:$0x1] =	wrdreg $0xFFFFFFFF  }
0xc1: {  	_ =	task.clear_ibuf [dreg:s7], $0x2FFFF;
	_ =	strace $0x9FFFFFFF  }
0xc2: {  	(tm) =	ssettm $0x7FFFFFFF  }
0xc3: {  	_ =	shalt  }
tec
execute0_lowered:
.L_overlay_start_1:
0x0: {  	(tag) =	ssettag $0x1  }
0x1: {  	s7 =	rddreg [dreg:$0x0]  }
0x2: {  	s6 =	rddreg [dreg:$0x1];
	s1 =	simm.s32 $0x0  }
0x3: {  	s2 =	srdreg.scid;
	s12 =	simm.s32 $0x2;
	s13 =	simm.s32 $0x200  }
0x4: {  	s14 =	simm.s32 $0xA00;
	s15 =	simm.s32 $0x1200;
	s16 =	simm.s32 $0x1A00  }
0x5: {  	s17 =	simm.s32 $0x2200;
	s18 =	simm.s32 $0x2A00;
	s19 =	simm.s32 $0x3200  }
0x6: {  	s20 =	simm.s32 $0x3A00;
	s21 =	simm.s32 $0x4200;
	s22 =	simm.s32 $0x4A00  }
0x7: {  	s23 =	simm.s32 $0x5200;
	s24 =	simm.s32 $0x5A00;
	s28 =	simm.s32 $0x7200  }
0x8: {  	s29 =	simm.s32 $0x7A00;
	s30 =	simm.s32 $0x1;
	s31 =	simm.s32 $0x3  }
0x9: {  	[smem:$0x7FF] =	sst s1;
	s4 =	sand.u32 $0x1, s2;
	s2 =	stileid.u32  }
0xa: {  	_ =	strace $0x8000004A;
	s3 =	sshll.u32 s4, $0x6;
	s8 =	ssub.s32 $0x2, s4  }
0xb: {  	s9 =	sshll.u32 s2, $0x7;
	s25 =	sshll.u32 s2, $0xF;
	s4 =	sshll.u32 s4, $0xE  }
0xc: {  	s5 =	sadd.s32 s3, s7;
	s3 =	sadd.s32 $0x202200, s7;
	s10 =	sshrl.u32 s8, $0x1  }
0xd: {  	s26 =	sor.u32 s4, s25;
	s4 =	sadd.s32 $0x202300, s7;
	s25 =	simm.s32 $0x6200  }
0xe: {  	s5 =	sadd.s32 s9, s5;
	s11 =	ssub.s32 s8, s10;
	s6 =	sadd.s32 s6, s26  }
0xf: {  	v2 =	vlaneseq.u32;
	s26 =	simm.s32 $0x6A00;
	s5 =	sadd.s32 $0x1A00, s5;
	s8 =	sadd.s32 $0x1000, s6  }
0x10: {  	vm0 =	vmmov $0xffff;
	v1 =	vshrl.u32 v2, $0x3;
	s9 =	sadd.s32 $0x2000, s6;
	s10 =	sadd.s32 $0x3000, s6;
	s11 =	smax.u32 s11, $0x1  }
0x11: {  	v0 =	vand.u32 $0x7, v2;
	v2 =	vor.u32 $0x8, v2;
	v1 =	vmul.u32 $0x8, v1;
	[dreg:$0x3] =	wrdreg s5;
	s5 =	sadd.s32 $0x202400, s7;
	s7 =	sadd.s32 $0x202500, s7  }
.LBB2_1:
0x12: {  	s0 =	rddreg [dreg:$0x3]  }
0x13: {  	[tilespmem:s1], [sflag:$0x2] =	stream.linear.gather [hbm4b:s0+s1], $0x200, $0x38;
	[tilespmem:$0x8200] =	vst v63  }
0x14: {  	_ =	swait.ge [sflag:s12], $0x200  }
0x15: {  	[sflag:s12] =	ssyncset.done $0x0  }
0x16: {  	[sflag:s12] =	ssyncadd.s32 $0xFFFFFE00  }
0x17: {  	v3 =	vld [tilespmem:$0x0];
	_ =	sdelay $0x4  }
0x18: {  	v4 =	vshll.u32 v3, $0x3  }
0x19: {  	v3 =	vand.u32 $0x7, v3;
	v4 =	vand.u32 $0xFFFFFFC0, v4  }
0x1a: {  	v3 =	vor.u32 v3, v4  }
0x1b: {  	v4 =	vperm.xlane v3, v0;
	_ =	sdelay $0x1  }
0x1c: {  	v4 =	vadd.s32 v1, v4;
	_ =	sdelay $0x4  }
0x1d: {  	[tilespmem:s13], [sflag:$0x1] =	stream.indirect_vreg.gather [hbm4b:s3+s1], $0x80, v4, vm0, $0xb8;
	[tilespmem:$0x8200] =	vst v63  }
0x1e: {  	v3 =	vperm.xlane v3, v2  }
0x1f: {  	[tilespmem:s14], [sflag:$0x1] =	stream.indirect_vreg.gather [hbm4b:s4+s1], $0x80, v4, vm0, $0xb8;
	[tilespmem:$0x8200] =	vst v63  }
0x20: {  	v3 =	vadd.s32 v1, v3  }
0x21: {  	[tilespmem:s15], [sflag:$0x1] =	stream.indirect_vreg.gather [hbm4b:s5+s1], $0x80, v4, vm0, $0xb8;
	[tilespmem:$0x8200] =	vst v63  }
0x22: {  	_ = 	snop  }
0x23: {  	[tilespmem:s16], [sflag:$0x1] =	stream.indirect_vreg.gather [hbm4b:s7+s1], $0x80, v4, vm0, $0xb8;
	[tilespmem:$0x8200] =	vst v63  }
0x24: {  	_ = 	snop  }
0x25: {  	[tilespmem:s17], [sflag:$0x1] =	stream.indirect_vreg.gather [hbm4b:s3+s1], $0x80, v3, vm0, $0xb8;
	[tilespmem:$0x8200] =	vst v63  }
0x26: {  	_ = 	snop  }
0x27: {  	[tilespmem:s18], [sflag:$0x1] =	stream.indirect_vreg.gather [hbm4b:s4+s1], $0x80, v3, vm0, $0xb8;
	[tilespmem:$0x8200] =	vst v63  }
0x28: {  	_ = 	snop  }
0x29: {  	[tilespmem:s19], [sflag:$0x1] =	stream.indirect_vreg.gather [hbm4b:s5+s1], $0x80, v3, vm0, $0xb8;
	[tilespmem:$0x8200] =	vst v63  }
0x2a: {  	_ = 	snop  }
0x2b: {  	[tilespmem:s20], [sflag:$0x1] =	stream.indirect_vreg.gather [hbm4b:s7+s1], $0x80, v3, vm0, $0xb8;
	[tilespmem:$0x8200] =	vst v63  }
0x2c: {  	v3 =	vld [tilespmem:$0x10];
	_ =	sdelay $0x4  }
0x2d: {  	v57 =	vshll.u32 v3, $0x3  }
0x2e: {  	v3 =	vand.u32 $0x7, v3;
	v4 =	vand.u32 $0xFFFFFFC0, v57  }
0x2f: {  	v3 =	vor.u32 v3, v4  }
0x30: {  	v4 =	vperm.xlane v3, v0;
	_ =	sdelay $0x1  }
0x31: {  	v4 =	vadd.s32 v1, v4;
	_ =	sdelay $0x4  }
0x32: {  	[tilespmem:s21], [sflag:$0x1] =	stream.indirect_vreg.gather [hbm4b:s3+s1], $0x80, v4, vm0, $0xb8;
	[tilespmem:$0x8200] =	vst v63  }
0x33: {  	v3 =	vperm.xlane v3, v2  }
0x34: {  	[tilespmem:s22], [sflag:$0x1] =	stream.indirect_vreg.gather [hbm4b:s4+s1], $0x80, v4, vm0, $0xb8;
	[tilespmem:$0x8200] =	vst v63  }
0x35: {  	v3 =	vadd.s32 v1, v3  }
0x36: {  	[tilespmem:s23], [sflag:$0x1] =	stream.indirect_vreg.gather [hbm4b:s5+s1], $0x80, v4, vm0, $0xb8;
	[tilespmem:$0x8200] =	vst v63  }
0x37: {  	_ = 	snop  }
0x38: {  	[tilespmem:s24], [sflag:$0x1] =	stream.indirect_vreg.gather [hbm4b:s7+s1], $0x80, v4, vm0, $0xb8;
	[tilespmem:$0x8200] =	vst v63  }
0x39: {  	_ = 	snop  }
0x3a: {  	[tilespmem:s25], [sflag:$0x1] =	stream.indirect_vreg.gather [hbm4b:s3+s1], $0x80, v3, vm0, $0xb8;
	[tilespmem:$0x8200] =	vst v63  }
0x3b: {  	_ = 	snop  }
0x3c: {  	[tilespmem:s26], [sflag:$0x1] =	stream.indirect_vreg.gather [hbm4b:s4+s1], $0x80, v3, vm0, $0xb8;
	[tilespmem:$0x8200] =	vst v63  }
0x3d: {  	_ = 	snop  }
0x3e: {  	[tilespmem:s28], [sflag:$0x1] =	stream.indirect_vreg.gather [hbm4b:s5+s1], $0x80, v3, vm0, $0xb8;
	[tilespmem:$0x8200] =	vst v63  }
0x3f: {  	_ = 	snop  }
0x40: {  	[tilespmem:s29], [sflag:$0x1] =	stream.indirect_vreg.gather [hbm4b:s7+s1], $0x80, v3, vm0, $0xb8;
	[tilespmem:$0x8200] =	vst v63  }
0x41: {  	_ =	swait.ge [sflag:s30], $0x8000  }
0x42: {  	[sflag:s30] =	ssyncset.done $0x0  }
0x43: {  	[sflag:s30] =	ssyncadd.s32 $0xFFFF8000  }
0x44: {  	[hbm4b:s6+s1] =	stream.linear.scatter [tilespmem:s13], [sflag:$0x3], $0x8000, $0x38;
	[tilespmem:$0x8200] =	vst v63  }
0x45: {  	_ =	swait.ge [sflag:s31], $0x8000  }
0x46: {  	[sflag:s31] =	ssyncset.done $0x0  }
0x47: {  	[sflag:s31] =	ssyncadd.s32 $0xFFFF8000  }
0x48: {  	v3 =	vld [tilespmem:$0x80];
	_ =	sdelay $0x4  }
0x49: {  	v58 =	vshll.u32 v3, $0x3  }
0x4a: {  	v3 =	vand.u32 $0x7, v3;
	v4 =	vand.u32 $0xFFFFFFC0, v58  }
0x4b: {  	v3 =	vor.u32 v3, v4  }
0x4c: {  	v4 =	vperm.xlane v3, v0;
	_ =	sdelay $0x1  }
0x4d: {  	v4 =	vadd.s32 v1, v4;
	_ =	sdelay $0x4  }
0x4e: {  	[tilespmem:s13], [sflag:$0x1] =	stream.indirect_vreg.gather [hbm4b:s3+s1], $0x80, v4, vm0, $0xb8;
	[tilespmem:$0x8200] =	vst v63  }
0x4f: {  	v3 =	vperm.xlane v3, v2  }
0x50: {  	[tilespmem:s14], [sflag:$0x1] =	stream.indirect_vreg.gather [hbm4b:s4+s1], $0x80, v4, vm0, $0xb8;
	[tilespmem:$0x8200] =	vst v63  }
0x51: {  	v3 =	vadd.s32 v1, v3  }
0x52: {  	[tilespmem:s15], [sflag:$0x1] =	stream.indirect_vreg.gather [hbm4b:s5+s1], $0x80, v4, vm0, $0xb8;
	[tilespmem:$0x8200] =	vst v63  }
0x53: {  	_ = 	snop  }
0x54: {  	[tilespmem:s16], [sflag:$0x1] =	stream.indirect_vreg.gather [hbm4b:s7+s1], $0x80, v4, vm0, $0xb8;
	[tilespmem:$0x8200] =	vst v63  }
0x55: {  	_ = 	snop  }
0x56: {  	[tilespmem:s17], [sflag:$0x1] =	stream.indirect_vreg.gather [hbm4b:s3+s1], $0x80, v3, vm0, $0xb8;
	[tilespmem:$0x8200] =	vst v63  }
0x57: {  	_ = 	snop  }
0x58: {  	[tilespmem:s18], [sflag:$0x1] =	stream.indirect_vreg.gather [hbm4b:s4+s1], $0x80, v3, vm0, $0xb8;
	[tilespmem:$0x8200] =	vst v63  }
0x59: {  	_ = 	snop  }
0x5a: {  	[tilespmem:s19], [sflag:$0x1] =	stream.indirect_vreg.gather [hbm4b:s5+s1], $0x80, v3, vm0, $0xb8;
	[tilespmem:$0x8200] =	vst v63  }
0x5b: {  	_ = 	snop  }
0x5c: {  	[tilespmem:s20], [sflag:$0x1] =	stream.indirect_vreg.gather [hbm4b:s7+s1], $0x80, v3, vm0, $0xb8;
	[tilespmem:$0x8200] =	vst v63  }
0x5d: {  	v3 =	vld [tilespmem:$0x90];
	_ =	sdelay $0x4  }
0x5e: {  	v59 =	vshll.u32 v3, $0x3  }
0x5f: {  	v3 =	vand.u32 $0x7, v3;
	v4 =	vand.u32 $0xFFFFFFC0, v59  }
0x60: {  	v3 =	vor.u32 v3, v4  }
0x61: {  	v4 =	vperm.xlane v3, v0;
	_ =	sdelay $0x1  }
0x62: {  	v4 =	vadd.s32 v1, v4;
	_ =	sdelay $0x4  }
0x63: {  	[tilespmem:s21], [sflag:$0x1] =	stream.indirect_vreg.gather [hbm4b:s3+s1], $0x80, v4, vm0, $0xb8;
	[tilespmem:$0x8200] =	vst v63  }
0x64: {  	v3 =	vperm.xlane v3, v2  }
0x65: {  	[tilespmem:s22], [sflag:$0x1] =	stream.indirect_vreg.gather [hbm4b:s4+s1], $0x80, v4, vm0, $0xb8;
	[tilespmem:$0x8200] =	vst v63  }
0x66: {  	v3 =	vadd.s32 v1, v3  }
0x67: {  	[tilespmem:s23], [sflag:$0x1] =	stream.indirect_vreg.gather [hbm4b:s5+s1], $0x80, v4, vm0, $0xb8;
	[tilespmem:$0x8200] =	vst v63  }
0x68: {  	_ = 	snop  }
0x69: {  	[tilespmem:s24], [sflag:$0x1] =	stream.indirect_vreg.gather [hbm4b:s7+s1], $0x80, v4, vm0, $0xb8;
	[tilespmem:$0x8200] =	vst v63  }
0x6a: {  	_ = 	snop  }
0x6b: {  	[tilespmem:s25], [sflag:$0x1] =	stream.indirect_vreg.gather [hbm4b:s3+s1], $0x80, v3, vm0, $0xb8;
	[tilespmem:$0x8200] =	vst v63  }
0x6c: {  	_ = 	snop  }
0x6d: {  	[tilespmem:s26], [sflag:$0x1] =	stream.indirect_vreg.gather [hbm4b:s4+s1], $0x80, v3, vm0, $0xb8;
	[tilespmem:$0x8200] =	vst v63  }
0x6e: {  	_ = 	snop  }
0x6f: {  	[tilespmem:s28], [sflag:$0x1] =	stream.indirect_vreg.gather [hbm4b:s5+s1], $0x80, v3, vm0, $0xb8;
	[tilespmem:$0x8200] =	vst v63  }
0x70: {  	_ = 	snop  }
0x71: {  	[tilespmem:s29], [sflag:$0x1] =	stream.indirect_vreg.gather [hbm4b:s7+s1], $0x80, v3, vm0, $0xb8;
	[tilespmem:$0x8200] =	vst v63  }
0x72: {  	_ =	swait.ge [sflag:s30], $0x8000  }
0x73: {  	[sflag:s30] =	ssyncset.done $0x0  }
0x74: {  	[sflag:s30] =	ssyncadd.s32 $0xFFFF8000  }
0x75: {  	[hbm4b:s8+s1] =	stream.linear.scatter [tilespmem:s13], [sflag:$0x3], $0x8000, $0x38;
	[tilespmem:$0x8200] =	vst v63  }
0x76: {  	_ =	swait.ge [sflag:s31], $0x8000  }
0x77: {  	[sflag:s31] =	ssyncset.done $0x0  }
0x78: {  	[sflag:s31] =	ssyncadd.s32 $0xFFFF8000  }
0x79: {  	v3 =	vld [tilespmem:$0x100];
	_ =	sdelay $0x4  }
0x7a: {  	v60 =	vshll.u32 v3, $0x3  }
0x7b: {  	v3 =	vand.u32 $0x7, v3;
	v4 =	vand.u32 $0xFFFFFFC0, v60  }
0x7c: {  	v3 =	vor.u32 v3, v4  }
0x7d: {  	v4 =	vperm.xlane v3, v0;
	_ =	sdelay $0x1  }
0x7e: {  	v4 =	vadd.s32 v1, v4;
	_ =	sdelay $0x4  }
0x7f: {  	[tilespmem:s13], [sflag:$0x1] =	stream.indirect_vreg.gather [hbm4b:s3+s1], $0x80, v4, vm0, $0xb8;
	[tilespmem:$0x8200] =	vst v63  }
0x80: {  	v3 =	vperm.xlane v3, v2  }
0x81: {  	[tilespmem:s14], [sflag:$0x1] =	stream.indirect_vreg.gather [hbm4b:s4+s1], $0x80, v4, vm0, $0xb8;
	[tilespmem:$0x8200] =	vst v63  }
0x82: {  	v3 =	vadd.s32 v1, v3  }
0x83: {  	[tilespmem:s15], [sflag:$0x1] =	stream.indirect_vreg.gather [hbm4b:s5+s1], $0x80, v4, vm0, $0xb8;
	[tilespmem:$0x8200] =	vst v63  }
0x84: {  	_ = 	snop  }
0x85: {  	[tilespmem:s16], [sflag:$0x1] =	stream.indirect_vreg.gather [hbm4b:s7+s1], $0x80, v4, vm0, $0xb8;
	[tilespmem:$0x8200] =	vst v63  }
0x86: {  	_ = 	snop  }
0x87: {  	[tilespmem:s17], [sflag:$0x1] =	stream.indirect_vreg.gather [hbm4b:s3+s1], $0x80, v3, vm0, $0xb8;
	[tilespmem:$0x8200] =	vst v63  }
0x88: {  	_ = 	snop  }
0x89: {  	[tilespmem:s18], [sflag:$0x1] =	stream.indirect_vreg.gather [hbm4b:s4+s1], $0x80, v3, vm0, $0xb8;
	[tilespmem:$0x8200] =	vst v63  }
0x8a: {  	_ = 	snop  }
0x8b: {  	[tilespmem:s19], [sflag:$0x1] =	stream.indirect_vreg.gather [hbm4b:s5+s1], $0x80, v3, vm0, $0xb8;
	[tilespmem:$0x8200] =	vst v63  }
0x8c: {  	_ = 	snop  }
0x8d: {  	[tilespmem:s20], [sflag:$0x1] =	stream.indirect_vreg.gather [hbm4b:s7+s1], $0x80, v3, vm0, $0xb8;
	[tilespmem:$0x8200] =	vst v63  }
0x8e: {  	v3 =	vld [tilespmem:$0x110];
	_ =	sdelay $0x4  }
0x8f: {  	v61 =	vshll.u32 v3, $0x3  }
0x90: {  	v3 =	vand.u32 $0x7, v3;
	v4 =	vand.u32 $0xFFFFFFC0, v61  }
0x91: {  	v3 =	vor.u32 v3, v4  }
0x92: {  	v4 =	vperm.xlane v3, v0;
	_ =	sdelay $0x1  }
0x93: {  	v4 =	vadd.s32 v1, v4;
	_ =	sdelay $0x4  }
0x94: {  	[tilespmem:s21], [sflag:$0x1] =	stream.indirect_vreg.gather [hbm4b:s3+s1], $0x80, v4, vm0, $0xb8;
	[tilespmem:$0x8200] =	vst v63  }
0x95: {  	v3 =	vperm.xlane v3, v2  }
0x96: {  	[tilespmem:s22], [sflag:$0x1] =	stream.indirect_vreg.gather [hbm4b:s4+s1], $0x80, v4, vm0, $0xb8;
	[tilespmem:$0x8200] =	vst v63  }
0x97: {  	v3 =	vadd.s32 v1, v3  }
0x98: {  	[tilespmem:s23], [sflag:$0x1] =	stream.indirect_vreg.gather [hbm4b:s5+s1], $0x80, v4, vm0, $0xb8;
	[tilespmem:$0x8200] =	vst v63  }
0x99: {  	_ = 	snop  }
0x9a: {  	[tilespmem:s24], [sflag:$0x1] =	stream.indirect_vreg.gather [hbm4b:s7+s1], $0x80, v4, vm0, $0xb8;
	[tilespmem:$0x8200] =	vst v63  }
0x9b: {  	_ = 	snop  }
0x9c: {  	[tilespmem:s25], [sflag:$0x1] =	stream.indirect_vreg.gather [hbm4b:s3+s1], $0x80, v3, vm0, $0xb8;
	[tilespmem:$0x8200] =	vst v63  }
0x9d: {  	_ = 	snop  }
0x9e: {  	[tilespmem:s26], [sflag:$0x1] =	stream.indirect_vreg.gather [hbm4b:s4+s1], $0x80, v3, vm0, $0xb8;
	[tilespmem:$0x8200] =	vst v63  }
0x9f: {  	_ = 	snop  }
0xa0: {  	[tilespmem:s28], [sflag:$0x1] =	stream.indirect_vreg.gather [hbm4b:s5+s1], $0x80, v3, vm0, $0xb8;
	[tilespmem:$0x8200] =	vst v63  }
0xa1: {  	_ = 	snop  }
0xa2: {  	[tilespmem:s29], [sflag:$0x1] =	stream.indirect_vreg.gather [hbm4b:s7+s1], $0x80, v3, vm0, $0xb8;
	[tilespmem:$0x8200] =	vst v63  }
0xa3: {  	_ =	swait.ge [sflag:s30], $0x8000  }
0xa4: {  	[sflag:s30] =	ssyncset.done $0x0  }
0xa5: {  	[sflag:s30] =	ssyncadd.s32 $0xFFFF8000  }
0xa6: {  	[hbm4b:s9+s1] =	stream.linear.scatter [tilespmem:s13], [sflag:$0x3], $0x8000, $0x38;
	[tilespmem:$0x8200] =	vst v63  }
0xa7: {  	_ =	swait.ge [sflag:s31], $0x8000  }
0xa8: {  	[sflag:s31] =	ssyncset.done $0x0  }
0xa9: {  	[sflag:s31] =	ssyncadd.s32 $0xFFFF8000  }
0xaa: {  	v3 =	vld [tilespmem:$0x180];
	_ =	sdelay $0x4  }
0xab: {  	v62 =	vshll.u32 v3, $0x3  }
0xac: {  	v3 =	vand.u32 $0x7, v3;
	v4 =	vand.u32 $0xFFFFFFC0, v62  }
0xad: {  	v3 =	vor.u32 v3, v4  }
0xae: {  	v4 =	vperm.xlane v3, v0;
	_ =	sdelay $0x1  }
0xaf: {  	v4 =	vadd.s32 v1, v4;
	_ =	sdelay $0x4  }
0xb0: {  	[tilespmem:s13], [sflag:$0x1] =	stream.indirect_vreg.gather [hbm4b:s3+s1], $0x80, v4, vm0, $0xb8;
	[tilespmem:$0x8200] =	vst v63  }
0xb1: {  	v3 =	vperm.xlane v3, v2  }
0xb2: {  	[tilespmem:s14], [sflag:$0x1] =	stream.indirect_vreg.gather [hbm4b:s4+s1], $0x80, v4, vm0, $0xb8;
	[tilespmem:$0x8200] =	vst v63  }
0xb3: {  	v3 =	vadd.s32 v1, v3  }
0xb4: {  	[tilespmem:s15], [sflag:$0x1] =	stream.indirect_vreg.gather [hbm4b:s5+s1], $0x80, v4, vm0, $0xb8;
	[tilespmem:$0x8200] =	vst v63  }
0xb5: {  	_ = 	snop  }
0xb6: {  	[tilespmem:s16], [sflag:$0x1] =	stream.indirect_vreg.gather [hbm4b:s7+s1], $0x80, v4, vm0, $0xb8;
	[tilespmem:$0x8200] =	vst v63  }
0xb7: {  	_ = 	snop  }
0xb8: {  	[tilespmem:s17], [sflag:$0x1] =	stream.indirect_vreg.gather [hbm4b:s3+s1], $0x80, v3, vm0, $0xb8;
	[tilespmem:$0x8200] =	vst v63  }
0xb9: {  	_ = 	snop  }
0xba: {  	[tilespmem:s18], [sflag:$0x1] =	stream.indirect_vreg.gather [hbm4b:s4+s1], $0x80, v3, vm0, $0xb8;
	[tilespmem:$0x8200] =	vst v63  }
0xbb: {  	_ = 	snop  }
0xbc: {  	[tilespmem:s19], [sflag:$0x1] =	stream.indirect_vreg.gather [hbm4b:s5+s1], $0x80, v3, vm0, $0xb8;
	[tilespmem:$0x8200] =	vst v63  }
0xbd: {  	_ = 	snop  }
0xbe: {  	[tilespmem:s20], [sflag:$0x1] =	stream.indirect_vreg.gather [hbm4b:s7+s1], $0x80, v3, vm0, $0xb8;
	[tilespmem:$0x8200] =	vst v63  }
0xbf: {  	v3 =	vld [tilespmem:$0x190];
	_ =	sdelay $0x4  }
0xc0: {  	v63 =	vshll.u32 v3, $0x3  }
0xc1: {  	v3 =	vand.u32 $0x7, v3;
	v4 =	vand.u32 $0xFFFFFFC0, v63  }
0xc2: {  	v3 =	vor.u32 v3, v4  }
0xc3: {  	v4 =	vperm.xlane v3, v0;
	_ =	sdelay $0x1  }
0xc4: {  	v4 =	vadd.s32 v1, v4;
	_ =	sdelay $0x4  }
0xc5: {  	[tilespmem:s21], [sflag:$0x1] =	stream.indirect_vreg.gather [hbm4b:s3+s1], $0x80, v4, vm0, $0xb8;
	[tilespmem:$0x8200] =	vst v63  }
0xc6: {  	v3 =	vperm.xlane v3, v2  }
0xc7: {  	[tilespmem:s22], [sflag:$0x1] =	stream.indirect_vreg.gather [hbm4b:s4+s1], $0x80, v4, vm0, $0xb8;
	[tilespmem:$0x8200] =	vst v63  }
0xc8: {  	v3 =	vadd.s32 v1, v3  }
0xc9: {  	[tilespmem:s23], [sflag:$0x1] =	stream.indirect_vreg.gather [hbm4b:s5+s1], $0x80, v4, vm0, $0xb8;
	[tilespmem:$0x8200] =	vst v63  }
0xca: {  	_ = 	snop  }
0xcb: {  	[tilespmem:s24], [sflag:$0x1] =	stream.indirect_vreg.gather [hbm4b:s7+s1], $0x80, v4, vm0, $0xb8;
	[tilespmem:$0x8200] =	vst v63  }
0xcc: {  	_ = 	snop  }
0xcd: {  	[tilespmem:s25], [sflag:$0x1] =	stream.indirect_vreg.gather [hbm4b:s3+s1], $0x80, v3, vm0, $0xb8;
	[tilespmem:$0x8200] =	vst v63  }
0xce: {  	_ = 	snop  }
0xcf: {  	[tilespmem:s26], [sflag:$0x1] =	stream.indirect_vreg.gather [hbm4b:s4+s1], $0x80, v3, vm0, $0xb8;
	[tilespmem:$0x8200] =	vst v63  }
0xd0: {  	_ = 	snop  }
0xd1: {  	[tilespmem:s28], [sflag:$0x1] =	stream.indirect_vreg.gather [hbm4b:s5+s1], $0x80, v3, vm0, $0xb8;
	[tilespmem:$0x8200] =	vst v63  }
0xd2: {  	_ = 	snop  }
0xd3: {  	[tilespmem:s29], [sflag:$0x1] =	stream.indirect_vreg.gather [hbm4b:s7+s1], $0x80, v3, vm0, $0xb8;
	[tilespmem:$0x8200] =	vst v63  }
0xd4: {  	_ =	swait.ge [sflag:s30], $0x8000  }
0xd5: {  	p0 =	sne.s32 s11, $0x1;
	[sflag:s30] =	ssyncset.done $0x0  }
.Ltmp0:
0xd6: {  	[sflag:s30] =	ssyncadd.s32 $0xFFFF8000;
	(pc) =	sbr.rel @p0 .LBB2_1-.Ltmp0, $4  }
0xd7: {  	[hbm4b:s10+s1] =	stream.linear.scatter [tilespmem:s13], [sflag:$0x3], $0x8000, $0x38;
	[tilespmem:$0x8200] =	vst v63  }
0xd8: {  	_ =	swait.ge [sflag:s31], $0x8000  }
0xd9: {  	[sflag:s31] =	ssyncset.done $0x0  }
0xda: {  	s11 =	sadd.s32 $0xFFFFFFFF, s11;
	[sflag:s31] =	ssyncadd.s32 $0xFFFF8000  }
0xdb: {  	_ =	sfence.sel $0x180000  }
0xdc: {  	[bflag:$0x0] =	sbarrier.arrive $0xFFFF  }
0xdd: {  	_ =	strace $0x9000004A  }
0xde: {  	[bflag:$0x2] =	sbarrier.arrive $0xFFFF  }
0xdf: {  	p0 =	sne.s32 s2, $0x0;
	s0 =	rddreg [dreg:$0x2]  }
0xe0: {  	s0 =	sadd.s32 @!p0 $0x100000, s0  }
0xe1: {  	[sflag:s0] =	ssyncadd.tile.s32 @!p0 $0x1;
	_ =	shalt  }
.Lfunc_end2:
_tile_overlayer_lowered:
.L_overlay_start_2:
0xe2: {  	(tag) =	ssettag $0x2  }
0xe3: {  	s0 =	rddreg [dreg:$0x0];
	s2 =	stileid.u32  }
0xe4: {  	s1 =	rddreg [dreg:$0x1];
	p0 =	sne.s32 s2, $0x0  }
0xe5: {  	s3 =	rddreg [dreg:$0x2];
	[bflag:$0x3] =	sbarrier.arrive $0xFFFF;
	s2 =	simm.s32 @!p0 $0x1C03  }
0xe6: {  	[timem:s3], [sflag:s2] =	dma.local @!p0 [hbm:s0], s1  }
0xe7: {  	s0 =	simm.s32 @!p0 $0x3  }
0xe8: {  	_ =	swait.ge @!p0 [sflag:s0], s1  }
0xe9: {  	s1 =	ssub.s32 @!p0 $0x0, s1;
	[sflag:s0] =	ssyncset.done @!p0 $0x0  }
0xea: {  	[sflag:s0] =	ssyncadd.s32 @!p0 s1  }
0xeb: {  	[bflag:$0x3] =	sbarrier.arrive $0xFFFF  }
0xec: {  	_ =	shalt  }

</sc_bundles>
